<compile_context>
chip_gen: v7x
topology: tpu7x:2x2x1
jax: 0.10.2.dev20260603
libtpu: 0.0.44.dev20260713+nightly
codegen_flags: <defaults>
</compile_context>

<pallas_src>
import jax
import jax.numpy as jnp
from jax import lax
from jax.experimental import pallas as pl
from jax.experimental.pallas import tpu as pltpu
from jax.experimental.pallas import tpu_sc as plsc

B = 16384
F = 26
FP = 32
NW = 32
RPW = B // NW
CH = 16
GPC = CH * FP // 128
NCH = RPW // CH
IRW = RPW * FP // 128


def _fm_body(sidx_hbm, idx_hbm, emb_hbm, lin_hbm, bias_hbm, out_hbm,
             sidx_v, idx_v, emb_v, lin_v, out_v, bias_v, sem):
    w = lax.axis_index("s") * 2 + lax.axis_index("c")
    lanes = lax.iota(jnp.int32, 16)
    lane0 = lanes == 0
    tail_mask = lanes < (F - 16)

    pltpu.sync_copy(sidx_hbm.at[pl.ds(w * IRW, IRW)], sidx_v)
    pltpu.sync_copy(idx_hbm.at[pl.ds(w * IRW, IRW)], idx_v)
    pltpu.sync_copy(bias_hbm, bias_v.at[pl.ds(0, 1)])
    bias_lane0 = jnp.where(lane0, bias_v[...], 0.0)

    def chunk_body(c, carry):
        copies = []
        for j in range(GPC):
            g = c * GPC + j
            copies.append(pltpu.make_async_copy(
                emb_hbm.at[sidx_v.at[g]], emb_v.at[pl.ds(j * 128, 128)], sem))
            copies.append(pltpu.make_async_copy(
                lin_hbm.at[idx_v.at[g]], lin_v.at[pl.ds(j * 128, 128)], sem))
        for cp in copies:
            cp.start()
        for cp in copies:
            cp.wait()

        def row_body(b, carry2):
            iv0 = idx_v[c * GPC + (b >> 2), pl.ds((b & 3) * FP, 16)]
            iv1 = idx_v[c * GPC + (b >> 2), pl.ds((b & 3) * FP + 16, 16)]
            ov0 = (iv0 & 3) << 5
            ov1 = (iv1 & 3) << 5
            s0 = jnp.zeros((16,), jnp.float32)
            s1 = jnp.zeros((16,), jnp.float32)
            q0 = jnp.zeros((16,), jnp.float32)
            q1 = jnp.zeros((16,), jnp.float32)
            for f in range(F):
                o = ov0[f] if f < 16 else ov1[f - 16]
                r = b * FP + f
                v0 = emb_v[r, pl.ds(o, 16)]
                v1 = emb_v[r, pl.ds(o + 16, 16)]
                s0 = s0 + v0
                s1 = s1 + v1
                q0 = q0 + v0 * v0
                q1 = q1 + v1 * v1
            lv0 = lin_v[pl.ds(b * FP, 16)]
            lv1 = jnp.where(tail_mask, lin_v[pl.ds(b * FP + 16, 16)], 0.0)
            t = (s0 * s0 - q0 + s1 * s1 - q1) * 0.5
            total = jnp.sum(t + lv0 + lv1 + bias_lane0)
            plsc.store_scatter(out_v, [jnp.broadcast_to(c * CH + b, (16,))],
                               jnp.broadcast_to(total, (16,)), mask=lane0)
            return carry2

        lax.fori_loop(0, CH, row_body, 0)
        return carry

    lax.fori_loop(0, NCH, chunk_body, 0)
    pltpu.sync_copy(out_v, out_hbm.at[pl.ds(w * RPW, RPW)])


def kernel(interaction_pairs, embedding_weight, linear_weight, bias):
    idxp = jnp.concatenate(
        [interaction_pairs, interaction_pairs[:, :FP - F]], axis=1)
    idx32 = idxp.reshape(-1, 128)
    sidx = (idxp >> 2).reshape(-1, 128)
    emb4 = embedding_weight.reshape(-1, 128)
    lin1 = jnp.sum(linear_weight, axis=1)
    run = pl.kernel(
        _fm_body,
        out_type=jax.ShapeDtypeStruct((B,), jnp.float32),
        mesh=plsc.VectorSubcoreMesh(core_axis_name="c", subcore_axis_name="s"),
        compiler_params=pltpu.CompilerParams(needs_layout_passes=False),
        scratch_types=[
            pltpu.VMEM((IRW, 128), jnp.int32),
            pltpu.VMEM((IRW, 128), jnp.int32),
            pltpu.VMEM((CH * FP, 128), jnp.float32),
            pltpu.VMEM((CH * FP,), jnp.float32),
            pltpu.VMEM((RPW,), jnp.float32),
            pltpu.VMEM((16,), jnp.float32),
            pltpu.SemaphoreType.DMA,
        ],
    )
    return run(sidx, idx32, emb4, lin1, bias)

# --- scband reference (transcript-rebuilt; emitter-appended) ---
"""Pipeline reference for scband-factorization-machine-model-62345745269317 (READ-ONLY COPY).

The authoritative reference and input builder live on the scoring server;
editing this copy changes nothing except your own understanding.
"""

import jax, jax.numpy as jnp
import numpy as np

VOCAB = 1000000
EMBED_DIM = 32
BATCH = 16384
NUM_FIELDS = 26

def setup_inputs(seed: int = 0) -> dict:
    key = jax.random.key(seed)
    k1, k2, k3 = jax.random.split(key, 3)
    interaction_pairs = jax.random.randint(k1, (BATCH, NUM_FIELDS), 0, VOCAB, dtype=jnp.int64 if jax.config.jax_enable_x64 else jnp.int32).astype(jnp.int32)
    # xavier_uniform for embedding [VOCAB, EMBED_DIM]
    bound = float(np.sqrt(6.0 / (VOCAB + EMBED_DIM)))
    embedding_weight = jax.random.uniform(k2, (VOCAB, EMBED_DIM), minval=-bound, maxval=bound, dtype=jnp.float32)
    # linear embedding [VOCAB, 1] (torch default: N(0,1))
    linear_weight = jax.random.normal(k3, (VOCAB, 1), dtype=jnp.float32)
    bias = jnp.zeros((1,), dtype=jnp.float32)
    return {"interaction_pairs": interaction_pairs, "embedding_weight": embedding_weight, "linear_weight": linear_weight, "bias": bias}

def reference(interaction_pairs, embedding_weight, linear_weight, bias):
    # FeaturesLinear: sum over fields of linear embedding + bias -> [B, 1]
    lin = jnp.sum(jnp.take(linear_weight, interaction_pairs, axis=0), axis=1) + bias
    # Embedding lookup -> [B, F, D]
    emb = jnp.take(embedding_weight, interaction_pairs, axis=0)
    # FM operation
    square_of_sum = jnp.sum(emb, axis=1) ** 2
    sum_of_square = jnp.sum(emb ** 2, axis=1)
    ix = square_of_sum - sum_of_square
    ix = jnp.sum(ix, axis=1, keepdims=True)
    fm = 0.5 * ix
    out = lin + fm
    return jnp.squeeze(out, axis=1)

if __name__ == "__main__":
    import jax
    _d = setup_inputs()
    print(jax.jit(kernel)(*tuple(_d.values())))

</pallas_src>

<mosaic_0001>
#map = affine_map<(d0, d1) -> (0, 0)>
#map1 = affine_map<(d0, d1) -> (0)>
module attributes {stable_mosaic.version = 14 : i64} {
  func.func @_fm_body(%arg0: i32, %arg1: i32, %arg2: memref<4096x128xi32, #tpu.memory_space<hbm>>, %arg3: memref<4096x128xi32, #tpu.memory_space<hbm>>, %arg4: memref<250000x128xf32, #tpu.memory_space<hbm>>, %arg5: memref<1000000xf32, #tpu.memory_space<hbm>>, %arg6: memref<1xf32, #tpu.memory_space<hbm>>, %arg7: memref<16384xf32, #tpu.memory_space<hbm>>, %arg8: memref<128x128xi32, #tpu.memory_space<vmem>>, %arg9: memref<128x128xi32, #tpu.memory_space<vmem>>, %arg10: memref<512x128xf32, #tpu.memory_space<vmem>>, %arg11: memref<512xf32, #tpu.memory_space<vmem>>, %arg12: memref<512xf32, #tpu.memory_space<vmem>>, %arg13: memref<16xf32, #tpu.memory_space<vmem>>, %arg14: memref<!tpu.dma_semaphore, #tpu.memory_space<semaphore_mem>>) attributes {dimension_semantics = [#tpu.dimension_semantics<core_parallel>, #tpu.dimension_semantics<subcore_parallel>], iteration_bounds = array<i64: 2, 16>, scalar_prefetch = 0 : i64, scratch_operands = 7 : i64, tpu.core_type = #tpu.core_type<sc_vector_subcore>, window_params = [{transform_indices = #map}, {transform_indices = #map}, {transform_indices = #map}, {transform_indices = #map1}, {transform_indices = #map1}, {transform_indices = #map1}]} {
    %mul3A = arith.constant 2 : i32
    %mul3A_0 = arith.muli %arg1, %mul3A : i32
    %add3A = arith.addi %mul3A_0, %arg0 : i32
    %iota3A = tpu.iota {dimensions = array<i32: 0>} : vector<16xi32>
    %eq3A = arith.constant 0 : i32
    %eq3A_1 = vector.broadcast %eq3A : i32 to vector<16xi32>
    %eq3A_2 = arith.cmpi eq, %iota3A, %eq3A_1 : vector<16xi32>
    %lt3A = arith.constant 10 : i32
    %lt3A_3 = vector.broadcast %lt3A : i32 to vector<16xi32>
    %lt3A_4 = arith.cmpi slt, %iota3A, %lt3A_3 : vector<16xi32>
    %mul3A_5 = arith.constant 128 : i32
    %mul3A_6 = arith.muli %add3A, %mul3A_5 : i32
    "tpu.region"() ({
      %run_scoped3A = tpu.sem_alloc : memref<!tpu.dma_semaphore, #tpu.memory_space<semaphore_mem>>
      %dma_start3A = arith.constant 0 : i32
      %dma_start3A_17 = tpu.memref_slice %arg2[%mul3A_6, %dma_start3A] : memref<4096x128xi32, #tpu.memory_space<hbm>> -> memref<128x128xi32, #tpu.memory_space<hbm>>
      %dma_start3A_18 = arith.constant 0 : i32
      %dma_start3A_19 = tpu.memref_slice %arg2[%mul3A_6, %dma_start3A_18] : memref<4096x128xi32, #tpu.memory_space<hbm>> -> memref<128x128xi32, #tpu.memory_space<hbm>>
      tpu.enqueue_dma source(%dma_start3A_19 : memref<128x128xi32, #tpu.memory_space<hbm>>) target(%arg8 : memref<128x128xi32, #tpu.memory_space<vmem>>) target_semaphore(%run_scoped3A : memref<!tpu.dma_semaphore, #tpu.memory_space<semaphore_mem>>)
      %dma_wait3A = arith.constant 0 : i32
      %dma_wait3A_20 = tpu.memref_slice %arg2[%mul3A_6, %dma_wait3A] : memref<4096x128xi32, #tpu.memory_space<hbm>> -> memref<128x128xi32, #tpu.memory_space<hbm>>
      %dma_wait3A_21 = arith.constant 0 : i32
      %dma_wait3A_22 = tpu.memref_slice %arg2[%mul3A_6, %dma_wait3A_21] : memref<4096x128xi32, #tpu.memory_space<hbm>> -> memref<128x128xi32, #tpu.memory_space<hbm>>
      tpu.wait_dma2 semaphore(%run_scoped3A : memref<!tpu.dma_semaphore, #tpu.memory_space<semaphore_mem>>) src(%dma_wait3A_22 : memref<128x128xi32, #tpu.memory_space<hbm>>) dst(%arg8 : memref<128x128xi32, #tpu.memory_space<vmem>>)
      tpu.yield
    }) : () -> ()
    %mul3A_7 = arith.constant 128 : i32
    %mul3A_8 = arith.muli %add3A, %mul3A_7 : i32
    "tpu.region"() ({
      %run_scoped3A = tpu.sem_alloc : memref<!tpu.dma_semaphore, #tpu.memory_space<semaphore_mem>>
      %dma_start3A = arith.constant 0 : i32
      %dma_start3A_17 = tpu.memref_slice %arg3[%mul3A_8, %dma_start3A] : memref<4096x128xi32, #tpu.memory_space<hbm>> -> memref<128x128xi32, #tpu.memory_space<hbm>>
      %dma_start3A_18 = arith.constant 0 : i32
      %dma_start3A_19 = tpu.memref_slice %arg3[%mul3A_8, %dma_start3A_18] : memref<4096x128xi32, #tpu.memory_space<hbm>> -> memref<128x128xi32, #tpu.memory_space<hbm>>
      tpu.enqueue_dma source(%dma_start3A_19 : memref<128x128xi32, #tpu.memory_space<hbm>>) target(%arg9 : memref<128x128xi32, #tpu.memory_space<vmem>>) target_semaphore(%run_scoped3A : memref<!tpu.dma_semaphore, #tpu.memory_space<semaphore_mem>>)
      %dma_wait3A = arith.constant 0 : i32
      %dma_wait3A_20 = tpu.memref_slice %arg3[%mul3A_8, %dma_wait3A] : memref<4096x128xi32, #tpu.memory_space<hbm>> -> memref<128x128xi32, #tpu.memory_space<hbm>>
      %dma_wait3A_21 = arith.constant 0 : i32
      %dma_wait3A_22 = tpu.memref_slice %arg3[%mul3A_8, %dma_wait3A_21] : memref<4096x128xi32, #tpu.memory_space<hbm>> -> memref<128x128xi32, #tpu.memory_space<hbm>>
      tpu.wait_dma2 semaphore(%run_scoped3A : memref<!tpu.dma_semaphore, #tpu.memory_space<semaphore_mem>>) src(%dma_wait3A_22 : memref<128x128xi32, #tpu.memory_space<hbm>>) dst(%arg9 : memref<128x128xi32, #tpu.memory_space<vmem>>)
      tpu.yield
    }) : () -> ()
    "tpu.region"() ({
      %run_scoped3A = tpu.sem_alloc : memref<!tpu.dma_semaphore, #tpu.memory_space<semaphore_mem>>
      %dma_start3A = arith.constant 0 : i32
      %dma_start3A_17 = tpu.memref_slice %arg13[%dma_start3A] : memref<16xf32, #tpu.memory_space<vmem>> -> memref<1xf32, #tpu.memory_space<vmem>>
      %dma_start3A_18 = arith.constant 0 : i32
      %dma_start3A_19 = tpu.memref_slice %arg13[%dma_start3A_18] : memref<16xf32, #tpu.memory_space<vmem>> -> memref<1xf32, #tpu.memory_space<vmem>>
      tpu.enqueue_dma source(%arg6 : memref<1xf32, #tpu.memory_space<hbm>>) target(%dma_start3A_19 : memref<1xf32, #tpu.memory_space<vmem>>) target_semaphore(%run_scoped3A : memref<!tpu.dma_semaphore, #tpu.memory_space<semaphore_mem>>)
      %dma_wait3A = arith.constant 0 : i32
      %dma_wait3A_20 = tpu.memref_slice %arg13[%dma_wait3A] : memref<16xf32, #tpu.memory_space<vmem>> -> memref<1xf32, #tpu.memory_space<vmem>>
      %dma_wait3A_21 = arith.constant 0 : i32
      %dma_wait3A_22 = tpu.memref_slice %arg13[%dma_wait3A_21] : memref<16xf32, #tpu.memory_space<vmem>> -> memref<1xf32, #tpu.memory_space<vmem>>
      tpu.wait_dma2 semaphore(%run_scoped3A : memref<!tpu.dma_semaphore, #tpu.memory_space<semaphore_mem>>) src(%arg6 : memref<1xf32, #tpu.memory_space<hbm>>) dst(%dma_wait3A_22 : memref<1xf32, #tpu.memory_space<vmem>>)
      tpu.yield
    }) : () -> ()
    %get3A = arith.constant 0 : index
    %get3A_9 = tpu.vector_load %arg13[%get3A] {strides = array<i32>} : memref<16xf32, #tpu.memory_space<vmem>>, vector<16xf32>,
    %jit3A = arith.constant 0.000000e+00 : f32
    %broadcast_in_dim3A = vector.broadcast %jit3A : f32 to vector<16xf32>
    %select_n3A = arith.select %eq3A_2, %get3A_9, %broadcast_in_dim3A : vector<16xi1>, vector<16xf32>
    %scan3A = arith.constant 0 : i32
    %scan3A_10 = arith.constant 0 : i32
    %scan3A_11 = arith.constant 32 : i32
    %scan3A_12 = arith.addi %scan3A_10, %scan3A_11 : i32
    %scan3A_13 = arith.constant 1 : i32
    scf.for %scan3A_17 = %scan3A_10 to %scan3A_12 step %scan3A_13  : i32 {
      %mul3A_18 = arith.constant 4 : i32
      %mul3A_19 = arith.muli %scan3A_17, %mul3A_18 : i32
      %add3A_20 = arith.constant 0 : i32
      %add3A_21 = arith.addi %mul3A_19, %add3A_20 : i32
      %mul3A_22 = arith.constant 4 : i32
      %mul3A_23 = arith.muli %scan3A_17, %mul3A_22 : i32
      %add3A_24 = arith.constant 1 : i32
      %add3A_25 = arith.addi %mul3A_23, %add3A_24 : i32
      %mul3A_26 = arith.constant 4 : i32
      %mul3A_27 = arith.muli %scan3A_17, %mul3A_26 : i32
      %add3A_28 = arith.constant 2 : i32
      %add3A_29 = arith.addi %mul3A_27, %add3A_28 : i32
      %mul3A_30 = arith.constant 4 : i32
      %mul3A_31 = arith.muli %scan3A_17, %mul3A_30 : i32
      %add3A_32 = arith.constant 3 : i32
      %add3A_33 = arith.addi %mul3A_31, %add3A_32 : i32
      %dma_start3A = arith.constant 0 : i32
      %dma_start3A_34 = arith.constant 0 : i32
      %dma_start3A_35 = tpu.memref_slice %arg10[%dma_start3A, %dma_start3A_34] : memref<512x128xf32, #tpu.memory_space<vmem>> -> memref<128x128xf32, #tpu.memory_space<vmem>>
      %dma_start3A_36 = arith.constant 0 : i32
      %dma_start3A_37 = tpu.memref_slice %arg8[%add3A_21, %dma_start3A_36] : memref<128x128xi32, #tpu.memory_space<vmem>> -> memref<1x128xi32, #tpu.memory_space<vmem>>
      %dma_start3A_38 = tpu.memref_squeeze %dma_start3A_37 : memref<1x128xi32, #tpu.memory_space<vmem>> -> memref<128xi32, #tpu.memory_space<vmem>>
      %dma_start3A_39 = arith.constant 0 : i32
      %dma_start3A_40 = arith.constant 0 : i32
      %dma_start3A_41 = tpu.memref_slice %arg4[%dma_start3A_39, %dma_start3A_40] : memref<250000x128xf32, #tpu.memory_space<hbm>> -> memref<250000x128xf32, #tpu.memory_space<hbm>>
      tpu.enqueue_indirect_dma source(%dma_start3A_41 : memref<250000x128xf32, #tpu.memory_space<hbm>>) target(%dma_start3A_35 : memref<128x128xf32, #tpu.memory_space<vmem>>) offsets(%dma_start3A_38 : memref<128xi32, #tpu.memory_space<vmem>>) semaphore(%arg14 : memref<!tpu.dma_semaphore, #tpu.memory_space<semaphore_mem>>)
      %dma_start3A_42 = arith.constant 0 : i32
      %dma_start3A_43 = tpu.memref_slice %arg11[%dma_start3A_42] : memref<512xf32, #tpu.memory_space<vmem>> -> memref<128xf32, #tpu.memory_space<vmem>>
      %dma_start3A_44 = arith.constant 0 : i32
      %dma_start3A_45 = tpu.memref_slice %arg9[%add3A_21, %dma_start3A_44] : memref<128x128xi32, #tpu.memory_space<vmem>> -> memref<1x128xi32, #tpu.memory_space<vmem>>
      %dma_start3A_46 = tpu.memref_squeeze %dma_start3A_45 : memref<1x128xi32, #tpu.memory_space<vmem>> -> memref<128xi32, #tpu.memory_space<vmem>>
      %dma_start3A_47 = arith.constant 0 : i32
      %dma_start3A_48 = tpu.memref_slice %arg5[%dma_start3A_47] : memref<1000000xf32, #tpu.memory_space<hbm>> -> memref<1000000xf32, #tpu.memory_space<hbm>>
      tpu.enqueue_indirect_dma source(%dma_start3A_48 : memref<1000000xf32, #tpu.memory_space<hbm>>) target(%dma_start3A_43 : memref<128xf32, #tpu.memory_space<vmem>>) offsets(%dma_start3A_46 : memref<128xi32, #tpu.memory_space<vmem>>) semaphore(%arg14 : memref<!tpu.dma_semaphore, #tpu.memory_space<semaphore_mem>>)
      %dma_start3A_49 = arith.constant 128 : i32
      %dma_start3A_50 = arith.constant 0 : i32
      %dma_start3A_51 = tpu.memref_slice %arg10[%dma_start3A_49, %dma_start3A_50] : memref<512x128xf32, #tpu.memory_space<vmem>> -> memref<128x128xf32, #tpu.memory_space<vmem>>
      %dma_start3A_52 = arith.constant 0 : i32
      %dma_start3A_53 = tpu.memref_slice %arg8[%add3A_25, %dma_start3A_52] : memref<128x128xi32, #tpu.memory_space<vmem>> -> memref<1x128xi32, #tpu.memory_space<vmem>>
      %dma_start3A_54 = tpu.memref_squeeze %dma_start3A_53 : memref<1x128xi32, #tpu.memory_space<vmem>> -> memref<128xi32, #tpu.memory_space<vmem>>
      %dma_start3A_55 = arith.constant 0 : i32
      %dma_start3A_56 = arith.constant 0 : i32
      %dma_start3A_57 = tpu.memref_slice %arg4[%dma_start3A_55, %dma_start3A_56] : memref<250000x128xf32, #tpu.memory_space<hbm>> -> memref<250000x128xf32, #tpu.memory_space<hbm>>
      tpu.enqueue_indirect_dma source(%dma_start3A_57 : memref<250000x128xf32, #tpu.memory_space<hbm>>) target(%dma_start3A_51 : memref<128x128xf32, #tpu.memory_space<vmem>>) offsets(%dma_start3A_54 : memref<128xi32, #tpu.memory_space<vmem>>) semaphore(%arg14 : memref<!tpu.dma_semaphore, #tpu.memory_space<semaphore_mem>>)
      %dma_start3A_58 = arith.constant 128 : i32
      %dma_start3A_59 = tpu.memref_slice %arg11[%dma_start3A_58] : memref<512xf32, #tpu.memory_space<vmem>> -> memref<128xf32, #tpu.memory_space<vmem>>
      %dma_start3A_60 = arith.constant 0 : i32
      %dma_start3A_61 = tpu.memref_slice %arg9[%add3A_25, %dma_start3A_60] : memref<128x128xi32, #tpu.memory_space<vmem>> -> memref<1x128xi32, #tpu.memory_space<vmem>>
      %dma_start3A_62 = tpu.memref_squeeze %dma_start3A_61 : memref<1x128xi32, #tpu.memory_space<vmem>> -> memref<128xi32, #tpu.memory_space<vmem>>
      %dma_start3A_63 = arith.constant 0 : i32
      %dma_start3A_64 = tpu.memref_slice %arg5[%dma_start3A_63] : memref<1000000xf32, #tpu.memory_space<hbm>> -> memref<1000000xf32, #tpu.memory_space<hbm>>
      tpu.enqueue_indirect_dma source(%dma_start3A_64 : memref<1000000xf32, #tpu.memory_space<hbm>>) target(%dma_start3A_59 : memref<128xf32, #tpu.memory_space<vmem>>) offsets(%dma_start3A_62 : memref<128xi32, #tpu.memory_space<vmem>>) semaphore(%arg14 : memref<!tpu.dma_semaphore, #tpu.memory_space<semaphore_mem>>)
      %dma_start3A_65 = arith.constant 256 : i32
      %dma_start3A_66 = arith.constant 0 : i32
      %dma_start3A_67 = tpu.memref_slice %arg10[%dma_start3A_65, %dma_start3A_66] : memref<512x128xf32, #tpu.memory_space<vmem>> -> memref<128x128xf32, #tpu.memory_space<vmem>>
      %dma_start3A_68 = arith.constant 0 : i32
      %dma_start3A_69 = tpu.memref_slice %arg8[%add3A_29, %dma_start3A_68] : memref<128x128xi32, #tpu.memory_space<vmem>> -> memref<1x128xi32, #tpu.memory_space<vmem>>
      %dma_start3A_70 = tpu.memref_squeeze %dma_start3A_69 : memref<1x128xi32, #tpu.memory_space<vmem>> -> memref<128xi32, #tpu.memory_space<vmem>>
      %dma_start3A_71 = arith.constant 0 : i32
      %dma_start3A_72 = arith.constant 0 : i32
      %dma_start3A_73 = tpu.memref_slice %arg4[%dma_start3A_71, %dma_start3A_72] : memref<250000x128xf32, #tpu.memory_space<hbm>> -> memref<250000x128xf32, #tpu.memory_space<hbm>>
      tpu.enqueue_indirect_dma source(%dma_start3A_73 : memref<250000x128xf32, #tpu.memory_space<hbm>>) target(%dma_start3A_67 : memref<128x128xf32, #tpu.memory_space<vmem>>) offsets(%dma_start3A_70 : memref<128xi32, #tpu.memory_space<vmem>>) semaphore(%arg14 : memref<!tpu.dma_semaphore, #tpu.memory_space<semaphore_mem>>)
      %dma_start3A_74 = arith.constant 256 : i32
      %dma_start3A_75 = tpu.memref_slice %arg11[%dma_start3A_74] : memref<512xf32, #tpu.memory_space<vmem>> -> memref<128xf32, #tpu.memory_space<vmem>>
      %dma_start3A_76 = arith.constant 0 : i32
      %dma_start3A_77 = tpu.memref_slice %arg9[%add3A_29, %dma_start3A_76] : memref<128x128xi32, #tpu.memory_space<vmem>> -> memref<1x128xi32, #tpu.memory_space<vmem>>
      %dma_start3A_78 = tpu.memref_squeeze %dma_start3A_77 : memref<1x128xi32, #tpu.memory_space<vmem>> -> memref<128xi32, #tpu.memory_space<vmem>>
      %dma_start3A_79 = arith.constant 0 : i32
      %dma_start3A_80 = tpu.memref_slice %arg5[%dma_start3A_79] : memref<1000000xf32, #tpu.memory_space<hbm>> -> memref<1000000xf32, #tpu.memory_space<hbm>>
      tpu.enqueue_indirect_dma source(%dma_start3A_80 : memref<1000000xf32, #tpu.memory_space<hbm>>) target(%dma_start3A_75 : memref<128xf32, #tpu.memory_space<vmem>>) offsets(%dma_start3A_78 : memref<128xi32, #tpu.memory_space<vmem>>) semaphore(%arg14 : memref<!tpu.dma_semaphore, #tpu.memory_space<semaphore_mem>>)
      %dma_start3A_81 = arith.constant 384 : i32
      %dma_start3A_82 = arith.constant 0 : i32
      %dma_start3A_83 = tpu.memref_slice %arg10[%dma_start3A_81, %dma_start3A_82] : memref<512x128xf32, #tpu.memory_space<vmem>> -> memref<128x128xf32, #tpu.memory_space<vmem>>
      %dma_start3A_84 = arith.constant 0 : i32
      %dma_start3A_85 = tpu.memref_slice %arg8[%add3A_33, %dma_start3A_84] : memref<128x128xi32, #tpu.memory_space<vmem>> -> memref<1x128xi32, #tpu.memory_space<vmem>>
      %dma_start3A_86 = tpu.memref_squeeze %dma_start3A_85 : memref<1x128xi32, #tpu.memory_space<vmem>> -> memref<128xi32, #tpu.memory_space<vmem>>
      %dma_start3A_87 = arith.constant 0 : i32
      %dma_start3A_88 = arith.constant 0 : i32
      %dma_start3A_89 = tpu.memref_slice %arg4[%dma_start3A_87, %dma_start3A_88] : memref<250000x128xf32, #tpu.memory_space<hbm>> -> memref<250000x128xf32, #tpu.memory_space<hbm>>
      tpu.enqueue_indirect_dma source(%dma_start3A_89 : memref<250000x128xf32, #tpu.memory_space<hbm>>) target(%dma_start3A_83 : memref<128x128xf32, #tpu.memory_space<vmem>>) offsets(%dma_start3A_86 : memref<128xi32, #tpu.memory_space<vmem>>) semaphore(%arg14 : memref<!tpu.dma_semaphore, #tpu.memory_space<semaphore_mem>>)
      %dma_start3A_90 = arith.constant 384 : i32
      %dma_start3A_91 = tpu.memref_slice %arg11[%dma_start3A_90] : memref<512xf32, #tpu.memory_space<vmem>> -> memref<128xf32, #tpu.memory_space<vmem>>
      %dma_start3A_92 = arith.constant 0 : i32
      %dma_start3A_93 = tpu.memref_slice %arg9[%add3A_33, %dma_start3A_92] : memref<128x128xi32, #tpu.memory_space<vmem>> -> memref<1x128xi32, #tpu.memory_space<vmem>>
      %dma_start3A_94 = tpu.memref_squeeze %dma_start3A_93 : memref<1x128xi32, #tpu.memory_space<vmem>> -> memref<128xi32, #tpu.memory_space<vmem>>
      %dma_start3A_95 = arith.constant 0 : i32
      %dma_start3A_96 = tpu.memref_slice %arg5[%dma_start3A_95] : memref<1000000xf32, #tpu.memory_space<hbm>> -> memref<1000000xf32, #tpu.memory_space<hbm>>
      tpu.enqueue_indirect_dma source(%dma_start3A_96 : memref<1000000xf32, #tpu.memory_space<hbm>>) target(%dma_start3A_91 : memref<128xf32, #tpu.memory_space<vmem>>) offsets(%dma_start3A_94 : memref<128xi32, #tpu.memory_space<vmem>>) semaphore(%arg14 : memref<!tpu.dma_semaphore, #tpu.memory_space<semaphore_mem>>)
      %dma_wait3A = arith.constant 0 : i32
      %dma_wait3A_97 = arith.constant 0 : i32
      %dma_wait3A_98 = tpu.memref_slice %arg10[%dma_wait3A, %dma_wait3A_97] : memref<512x128xf32, #tpu.memory_space<vmem>> -> memref<128x128xf32, #tpu.memory_space<vmem>>
      %dma_wait3A_99 = arith.constant 0 : i32
      %dma_wait3A_100 = tpu.memref_slice %arg8[%add3A_21, %dma_wait3A_99] : memref<128x128xi32, #tpu.memory_space<vmem>> -> memref<1x128xi32, #tpu.memory_space<vmem>>
      %dma_wait3A_101 = tpu.memref_squeeze %dma_wait3A_100 : memref<1x128xi32, #tpu.memory_space<vmem>> -> memref<128xi32, #tpu.memory_space<vmem>>
      %dma_wait3A_102 = arith.constant 0 : i32
      %dma_wait3A_103 = arith.constant 0 : i32
      %dma_wait3A_104 = tpu.memref_slice %arg4[%dma_wait3A_102, %dma_wait3A_103] : memref<250000x128xf32, #tpu.memory_space<hbm>> -> memref<250000x128xf32, #tpu.memory_space<hbm>>
      tpu.wait_indirect_dma semaphore(%arg14 : memref<!tpu.dma_semaphore, #tpu.memory_space<semaphore_mem>>) src(%dma_wait3A_104 : memref<250000x128xf32, #tpu.memory_space<hbm>>) dst(%dma_wait3A_98 : memref<128x128xf32, #tpu.memory_space<vmem>>)
      %dma_wait3A_105 = arith.constant 0 : i32
      %dma_wait3A_106 = tpu.memref_slice %arg11[%dma_wait3A_105] : memref<512xf32, #tpu.memory_space<vmem>> -> memref<128xf32, #tpu.memory_space<vmem>>
      %dma_wait3A_107 = arith.constant 0 : i32
      %dma_wait3A_108 = tpu.memref_slice %arg9[%add3A_21, %dma_wait3A_107] : memref<128x128xi32, #tpu.memory_space<vmem>> -> memref<1x128xi32, #tpu.memory_space<vmem>>
      %dma_wait3A_109 = tpu.memref_squeeze %dma_wait3A_108 : memref<1x128xi32, #tpu.memory_space<vmem>> -> memref<128xi32, #tpu.memory_space<vmem>>
      %dma_wait3A_110 = arith.constant 0 : i32
      %dma_wait3A_111 = tpu.memref_slice %arg5[%dma_wait3A_110] : memref<1000000xf32, #tpu.memory_space<hbm>> -> memref<1000000xf32, #tpu.memory_space<hbm>>
      tpu.wait_indirect_dma semaphore(%arg14 : memref<!tpu.dma_semaphore, #tpu.memory_space<semaphore_mem>>) src(%dma_wait3A_111 : memref<1000000xf32, #tpu.memory_space<hbm>>) dst(%dma_wait3A_106 : memref<128xf32, #tpu.memory_space<vmem>>)
      %dma_wait3A_112 = arith.constant 128 : i32
      %dma_wait3A_113 = arith.constant 0 : i32
      %dma_wait3A_114 = tpu.memref_slice %arg10[%dma_wait3A_112, %dma_wait3A_113] : memref<512x128xf32, #tpu.memory_space<vmem>> -> memref<128x128xf32, #tpu.memory_space<vmem>>
      %dma_wait3A_115 = arith.constant 0 : i32
      %dma_wait3A_116 = tpu.memref_slice %arg8[%add3A_25, %dma_wait3A_115] : memref<128x128xi32, #tpu.memory_space<vmem>> -> memref<1x128xi32, #tpu.memory_space<vmem>>
      %dma_wait3A_117 = tpu.memref_squeeze %dma_wait3A_116 : memref<1x128xi32, #tpu.memory_space<vmem>> -> memref<128xi32, #tpu.memory_space<vmem>>
      %dma_wait3A_118 = arith.constant 0 : i32
      %dma_wait3A_119 = arith.constant 0 : i32
      %dma_wait3A_120 = tpu.memref_slice %arg4[%dma_wait3A_118, %dma_wait3A_119] : memref<250000x128xf32, #tpu.memory_space<hbm>> -> memref<250000x128xf32, #tpu.memory_space<hbm>>
      tpu.wait_indirect_dma semaphore(%arg14 : memref<!tpu.dma_semaphore, #tpu.memory_space<semaphore_mem>>) src(%dma_wait3A_120 : memref<250000x128xf32, #tpu.memory_space<hbm>>) dst(%dma_wait3A_114 : memref<128x128xf32, #tpu.memory_space<vmem>>)
      %dma_wait3A_121 = arith.constant 128 : i32
      %dma_wait3A_122 = tpu.memref_slice %arg11[%dma_wait3A_121] : memref<512xf32, #tpu.memory_space<vmem>> -> memref<128xf32, #tpu.memory_space<vmem>>
      %dma_wait3A_123 = arith.constant 0 : i32
      %dma_wait3A_124 = tpu.memref_slice %arg9[%add3A_25, %dma_wait3A_123] : memref<128x128xi32, #tpu.memory_space<vmem>> -> memref<1x128xi32, #tpu.memory_space<vmem>>
      %dma_wait3A_125 = tpu.memref_squeeze %dma_wait3A_124 : memref<1x128xi32, #tpu.memory_space<vmem>> -> memref<128xi32, #tpu.memory_space<vmem>>
      %dma_wait3A_126 = arith.constant 0 : i32
      %dma_wait3A_127 = tpu.memref_slice %arg5[%dma_wait3A_126] : memref<1000000xf32, #tpu.memory_space<hbm>> -> memref<1000000xf32, #tpu.memory_space<hbm>>
      tpu.wait_indirect_dma semaphore(%arg14 : memref<!tpu.dma_semaphore, #tpu.memory_space<semaphore_mem>>) src(%dma_wait3A_127 : memref<1000000xf32, #tpu.memory_space<hbm>>) dst(%dma_wait3A_122 : memref<128xf32, #tpu.memory_space<vmem>>)
      %dma_wait3A_128 = arith.constant 256 : i32
      %dma_wait3A_129 = arith.constant 0 : i32
      %dma_wait3A_130 = tpu.memref_slice %arg10[%dma_wait3A_128, %dma_wait3A_129] : memref<512x128xf32, #tpu.memory_space<vmem>> -> memref<128x128xf32, #tpu.memory_space<vmem>>
      %dma_wait3A_131 = arith.constant 0 : i32
      %dma_wait3A_132 = tpu.memref_slice %arg8[%add3A_29, %dma_wait3A_131] : memref<128x128xi32, #tpu.memory_space<vmem>> -> memref<1x128xi32, #tpu.memory_space<vmem>>
      %dma_wait3A_133 = tpu.memref_squeeze %dma_wait3A_132 : memref<1x128xi32, #tpu.memory_space<vmem>> -> memref<128xi32, #tpu.memory_space<vmem>>
      %dma_wait3A_134 = arith.constant 0 : i32
      %dma_wait3A_135 = arith.constant 0 : i32
      %dma_wait3A_136 = tpu.memref_slice %arg4[%dma_wait3A_134, %dma_wait3A_135] : memref<250000x128xf32, #tpu.memory_space<hbm>> -> memref<250000x128xf32, #tpu.memory_space<hbm>>
      tpu.wait_indirect_dma semaphore(%arg14 : memref<!tpu.dma_semaphore, #tpu.memory_space<semaphore_mem>>) src(%dma_wait3A_136 : memref<250000x128xf32, #tpu.memory_space<hbm>>) dst(%dma_wait3A_130 : memref<128x128xf32, #tpu.memory_space<vmem>>)
      %dma_wait3A_137 = arith.constant 256 : i32
      %dma_wait3A_138 = tpu.memref_slice %arg11[%dma_wait3A_137] : memref<512xf32, #tpu.memory_space<vmem>> -> memref<128xf32, #tpu.memory_space<vmem>>
      %dma_wait3A_139 = arith.constant 0 : i32
      %dma_wait3A_140 = tpu.memref_slice %arg9[%add3A_29, %dma_wait3A_139] : memref<128x128xi32, #tpu.memory_space<vmem>> -> memref<1x128xi32, #tpu.memory_space<vmem>>
      %dma_wait3A_141 = tpu.memref_squeeze %dma_wait3A_140 : memref<1x128xi32, #tpu.memory_space<vmem>> -> memref<128xi32, #tpu.memory_space<vmem>>
      %dma_wait3A_142 = arith.constant 0 : i32
      %dma_wait3A_143 = tpu.memref_slice %arg5[%dma_wait3A_142] : memref<1000000xf32, #tpu.memory_space<hbm>> -> memref<1000000xf32, #tpu.memory_space<hbm>>
      tpu.wait_indirect_dma semaphore(%arg14 : memref<!tpu.dma_semaphore, #tpu.memory_space<semaphore_mem>>) src(%dma_wait3A_143 : memref<1000000xf32, #tpu.memory_space<hbm>>) dst(%dma_wait3A_138 : memref<128xf32, #tpu.memory_space<vmem>>)
      %dma_wait3A_144 = arith.constant 384 : i32
      %dma_wait3A_145 = arith.constant 0 : i32
      %dma_wait3A_146 = tpu.memref_slice %arg10[%dma_wait3A_144, %dma_wait3A_145] : memref<512x128xf32, #tpu.memory_space<vmem>> -> memref<128x128xf32, #tpu.memory_space<vmem>>
      %dma_wait3A_147 = arith.constant 0 : i32
      %dma_wait3A_148 = tpu.memref_slice %arg8[%add3A_33, %dma_wait3A_147] : memref<128x128xi32, #tpu.memory_space<vmem>> -> memref<1x128xi32, #tpu.memory_space<vmem>>
      %dma_wait3A_149 = tpu.memref_squeeze %dma_wait3A_148 : memref<1x128xi32, #tpu.memory_space<vmem>> -> memref<128xi32, #tpu.memory_space<vmem>>
      %dma_wait3A_150 = arith.constant 0 : i32
      %dma_wait3A_151 = arith.constant 0 : i32
      %dma_wait3A_152 = tpu.memref_slice %arg4[%dma_wait3A_150, %dma_wait3A_151] : memref<250000x128xf32, #tpu.memory_space<hbm>> -> memref<250000x128xf32, #tpu.memory_space<hbm>>
      tpu.wait_indirect_dma semaphore(%arg14 : memref<!tpu.dma_semaphore, #tpu.memory_space<semaphore_mem>>) src(%dma_wait3A_152 : memref<250000x128xf32, #tpu.memory_space<hbm>>) dst(%dma_wait3A_146 : memref<128x128xf32, #tpu.memory_space<vmem>>)
      %dma_wait3A_153 = arith.constant 384 : i32
      %dma_wait3A_154 = tpu.memref_slice %arg11[%dma_wait3A_153] : memref<512xf32, #tpu.memory_space<vmem>> -> memref<128xf32, #tpu.memory_space<vmem>>
      %dma_wait3A_155 = arith.constant 0 : i32
      %dma_wait3A_156 = tpu.memref_slice %arg9[%add3A_33, %dma_wait3A_155] : memref<128x128xi32, #tpu.memory_space<vmem>> -> memref<1x128xi32, #tpu.memory_space<vmem>>
      %dma_wait3A_157 = tpu.memref_squeeze %dma_wait3A_156 : memref<1x128xi32, #tpu.memory_space<vmem>> -> memref<128xi32, #tpu.memory_space<vmem>>
      %dma_wait3A_158 = arith.constant 0 : i32
      %dma_wait3A_159 = tpu.memref_slice %arg5[%dma_wait3A_158] : memref<1000000xf32, #tpu.memory_space<hbm>> -> memref<1000000xf32, #tpu.memory_space<hbm>>
      tpu.wait_indirect_dma semaphore(%arg14 : memref<!tpu.dma_semaphore, #tpu.memory_space<semaphore_mem>>) src(%dma_wait3A_159 : memref<1000000xf32, #tpu.memory_space<hbm>>) dst(%dma_wait3A_154 : memref<128xf32, #tpu.memory_space<vmem>>)
      %scan3A_160 = arith.constant 0 : i32
      %scan3A_161 = arith.constant 0 : i32
      %scan3A_162 = arith.constant 16 : i32
      %scan3A_163 = arith.addi %scan3A_161, %scan3A_162 : i32
      %scan3A_164 = arith.constant 1 : i32
      scf.for %scan3A_166 = %scan3A_161 to %scan3A_163 step %scan3A_164  : i32 {
        %mul3A_167 = arith.constant 4 : i32
        %mul3A_168 = arith.muli %scan3A_17, %mul3A_167 : i32
        %shift_right_arithmetic3A = arith.constant 2 : i32
        %shift_right_arithmetic3A_169 = arith.shrsi %scan3A_166, %shift_right_arithmetic3A : i32
        %add3A_170 = arith.addi %mul3A_168, %shift_right_arithmetic3A_169 : i32
        %and3A = arith.constant 3 : i32
        %and3A_171 = arith.andi %scan3A_166, %and3A : i32
        %mul3A_172 = arith.constant 32 : i32
        %mul3A_173 = arith.muli %and3A_171, %mul3A_172 : i32
        %get3A_174 = arith.index_cast %add3A_170 : i32 to index
        %get3A_175 = arith.index_cast %mul3A_173 : i32 to index
        %get3A_176 = tpu.vector_load %arg9[%get3A_174, %get3A_175] {strides = array<i32>} : memref<128x128xi32, #tpu.memory_space<vmem>>, vector<16xi32>,
        %mul3A_177 = arith.constant 4 : i32
        %mul3A_178 = arith.muli %scan3A_17, %mul3A_177 : i32
        %shift_right_arithmetic3A_179 = arith.constant 2 : i32
        %shift_right_arithmetic3A_180 = arith.shrsi %scan3A_166, %shift_right_arithmetic3A_179 : i32
        %add3A_181 = arith.addi %mul3A_178, %shift_right_arithmetic3A_180 : i32
        %and3A_182 = arith.constant 3 : i32
        %and3A_183 = arith.andi %scan3A_166, %and3A_182 : i32
        %mul3A_184 = arith.constant 32 : i32
        %mul3A_185 = arith.muli %and3A_183, %mul3A_184 : i32
        %add3A_186 = arith.constant 16 : i32
        %add3A_187 = arith.addi %mul3A_185, %add3A_186 : i32
        %get3A_188 = arith.index_cast %add3A_181 : i32 to index
        %get3A_189 = arith.index_cast %add3A_187 : i32 to index
        %get3A_190 = tpu.vector_load %arg9[%get3A_188, %get3A_189] {strides = array<i32>} : memref<128x128xi32, #tpu.memory_space<vmem>>, vector<16xi32>,
        %and3A_191 = arith.constant 3 : i32
        %and3A_192 = vector.broadcast %and3A_191 : i32 to vector<16xi32>
        %and3A_193 = arith.andi %get3A_176, %and3A_192 : vector<16xi32>
        %shift_left3A = arith.constant 5 : i32
        %shift_left3A_194 = vector.broadcast %shift_left3A : i32 to vector<16xi32>
        %shift_left3A_195 = arith.shli %and3A_193, %shift_left3A_194 : vector<16xi32>
        %and3A_196 = arith.constant 3 : i32
        %and3A_197 = vector.broadcast %and3A_196 : i32 to vector<16xi32>
        %and3A_198 = arith.andi %get3A_190, %and3A_197 : vector<16xi32>
        %shift_left3A_199 = arith.constant 5 : i32
        %shift_left3A_200 = vector.broadcast %shift_left3A_199 : i32 to vector<16xi32>
        %shift_left3A_201 = arith.shli %and3A_198, %shift_left3A_200 : vector<16xi32>
        %broadcast_in_dim3A_202 = arith.constant 0.000000e+00 : f32
        %broadcast_in_dim3A_203 = vector.broadcast %broadcast_in_dim3A_202 : f32 to vector<16xf32>
        %broadcast_in_dim3A_204 = arith.constant 0.000000e+00 : f32
        %broadcast_in_dim3A_205 = vector.broadcast %broadcast_in_dim3A_204 : f32 to vector<16xf32>
        %broadcast_in_dim3A_206 = arith.constant 0.000000e+00 : f32
        %broadcast_in_dim3A_207 = vector.broadcast %broadcast_in_dim3A_206 : f32 to vector<16xf32>
        %broadcast_in_dim3A_208 = arith.constant 0.000000e+00 : f32
        %broadcast_in_dim3A_209 = vector.broadcast %broadcast_in_dim3A_208 : f32 to vector<16xf32>
        %slice3A = vector.extract_strided_slice %shift_left3A_195 {offsets = [0], sizes = [1], strides = [1]} : vector<16xi32> to vector<1xi32>
        %squeeze3A = vector.extract %slice3A[0] : i32 from vector<1xi32>
        %mul3A_210 = arith.constant 32 : i32
        %mul3A_211 = arith.muli %scan3A_166, %mul3A_210 : i32
        %add3A_212 = arith.constant 0 : i32
        %add3A_213 = arith.addi %mul3A_211, %add3A_212 : i32
        %get3A_214 = arith.index_cast %add3A_213 : i32 to index
        %get3A_215 = arith.index_cast %squeeze3A : i32 to index
        %get3A_216 = tpu.vector_load %arg10[%get3A_214, %get3A_215] {strides = array<i32>} : memref<512x128xf32, #tpu.memory_space<vmem>>, vector<16xf32>,
        %add3A_217 = arith.constant 16 : i32
        %add3A_218 = arith.addi %squeeze3A, %add3A_217 : i32
        %get3A_219 = arith.index_cast %add3A_213 : i32 to index
        %get3A_220 = arith.index_cast %add3A_218 : i32 to index
        %get3A_221 = tpu.vector_load %arg10[%get3A_219, %get3A_220] {strides = array<i32>} : memref<512x128xf32, #tpu.memory_space<vmem>>, vector<16xf32>,
        %add3A_222 = arith.addf %broadcast_in_dim3A_203, %get3A_216 : vector<16xf32>
        %add3A_223 = arith.addf %broadcast_in_dim3A_205, %get3A_221 : vector<16xf32>
        %mul3A_224 = arith.mulf %get3A_216, %get3A_216 : vector<16xf32>
        %add3A_225 = arith.addf %broadcast_in_dim3A_207, %mul3A_224 : vector<16xf32>
        %mul3A_226 = arith.mulf %get3A_221, %get3A_221 : vector<16xf32>
        %add3A_227 = arith.addf %broadcast_in_dim3A_209, %mul3A_226 : vector<16xf32>
        %slice3A_228 = vector.extract_strided_slice %shift_left3A_195 {offsets = [1], sizes = [1], strides = [1]} : vector<16xi32> to vector<1xi32>
        %squeeze3A_229 = vector.extract %slice3A_228[0] : i32 from vector<1xi32>
        %mul3A_230 = arith.constant 32 : i32
        %mul3A_231 = arith.muli %scan3A_166, %mul3A_230 : i32
        %add3A_232 = arith.constant 1 : i32
        %add3A_233 = arith.addi %mul3A_231, %add3A_232 : i32
        %get3A_234 = arith.index_cast %add3A_233 : i32 to index
        %get3A_235 = arith.index_cast %squeeze3A_229 : i32 to index
        %get3A_236 = tpu.vector_load %arg10[%get3A_234, %get3A_235] {strides = array<i32>} : memref<512x128xf32, #tpu.memory_space<vmem>>, vector<16xf32>,
        %add3A_237 = arith.constant 16 : i32
        %add3A_238 = arith.addi %squeeze3A_229, %add3A_237 : i32
        %get3A_239 = arith.index_cast %add3A_233 : i32 to index
        %get3A_240 = arith.index_cast %add3A_238 : i32 to index
        %get3A_241 = tpu.vector_load %arg10[%get3A_239, %get3A_240] {strides = array<i32>} : memref<512x128xf32, #tpu.memory_space<vmem>>, vector<16xf32>,
        %add3A_242 = arith.addf %add3A_222, %get3A_236 : vector<16xf32>
        %add3A_243 = arith.addf %add3A_223, %get3A_241 : vector<16xf32>
        %mul3A_244 = arith.mulf %get3A_236, %get3A_236 : vector<16xf32>
        %add3A_245 = arith.addf %add3A_225, %mul3A_244 : vector<16xf32>
        %mul3A_246 = arith.mulf %get3A_241, %get3A_241 : vector<16xf32>
        %add3A_247 = arith.addf %add3A_227, %mul3A_246 : vector<16xf32>
        %slice3A_248 = vector.extract_strided_slice %shift_left3A_195 {offsets = [2], sizes = [1], strides = [1]} : vector<16xi32> to vector<1xi32>
        %squeeze3A_249 = vector.extract %slice3A_248[0] : i32 from vector<1xi32>
        %mul3A_250 = arith.constant 32 : i32
        %mul3A_251 = arith.muli %scan3A_166, %mul3A_250 : i32
        %add3A_252 = arith.constant 2 : i32
        %add3A_253 = arith.addi %mul3A_251, %add3A_252 : i32
        %get3A_254 = arith.index_cast %add3A_253 : i32 to index
        %get3A_255 = arith.index_cast %squeeze3A_249 : i32 to index
        %get3A_256 = tpu.vector_load %arg10[%get3A_254, %get3A_255] {strides = array<i32>} : memref<512x128xf32, #tpu.memory_space<vmem>>, vector<16xf32>,
        %add3A_257 = arith.constant 16 : i32
        %add3A_258 = arith.addi %squeeze3A_249, %add3A_257 : i32
        %get3A_259 = arith.index_cast %add3A_253 : i32 to index
        %get3A_260 = arith.index_cast %add3A_258 : i32 to index
        %get3A_261 = tpu.vector_load %arg10[%get3A_259, %get3A_260] {strides = array<i32>} : memref<512x128xf32, #tpu.memory_space<vmem>>, vector<16xf32>,
        %add3A_262 = arith.addf %add3A_242, %get3A_256 : vector<16xf32>
        %add3A_263 = arith.addf %add3A_243, %get3A_261 : vector<16xf32>
        %mul3A_264 = arith.mulf %get3A_256, %get3A_256 : vector<16xf32>
        %add3A_265 = arith.addf %add3A_245, %mul3A_264 : vector<16xf32>
        %mul3A_266 = arith.mulf %get3A_261, %get3A_261 : vector<16xf32>
        %add3A_267 = arith.addf %add3A_247, %mul3A_266 : vector<16xf32>
        %slice3A_268 = vector.extract_strided_slice %shift_left3A_195 {offsets = [3], sizes = [1], strides = [1]} : vector<16xi32> to vector<1xi32>
        %squeeze3A_269 = vector.extract %slice3A_268[0] : i32 from vector<1xi32>
        %mul3A_270 = arith.constant 32 : i32
        %mul3A_271 = arith.muli %scan3A_166, %mul3A_270 : i32
        %add3A_272 = arith.constant 3 : i32
        %add3A_273 = arith.addi %mul3A_271, %add3A_272 : i32
        %get3A_274 = arith.index_cast %add3A_273 : i32 to index
        %get3A_275 = arith.index_cast %squeeze3A_269 : i32 to index
        %get3A_276 = tpu.vector_load %arg10[%get3A_274, %get3A_275] {strides = array<i32>} : memref<512x128xf32, #tpu.memory_space<vmem>>, vector<16xf32>,
        %add3A_277 = arith.constant 16 : i32
        %add3A_278 = arith.addi %squeeze3A_269, %add3A_277 : i32
        %get3A_279 = arith.index_cast %add3A_273 : i32 to index
        %get3A_280 = arith.index_cast %add3A_278 : i32 to index
        %get3A_281 = tpu.vector_load %arg10[%get3A_279, %get3A_280] {strides = array<i32>} : memref<512x128xf32, #tpu.memory_space<vmem>>, vector<16xf32>,
        %add3A_282 = arith.addf %add3A_262, %get3A_276 : vector<16xf32>
        %add3A_283 = arith.addf %add3A_263, %get3A_281 : vector<16xf32>
        %mul3A_284 = arith.mulf %get3A_276, %get3A_276 : vector<16xf32>
        %add3A_285 = arith.addf %add3A_265, %mul3A_284 : vector<16xf32>
        %mul3A_286 = arith.mulf %get3A_281, %get3A_281 : vector<16xf32>
        %add3A_287 = arith.addf %add3A_267, %mul3A_286 : vector<16xf32>
        %slice3A_288 = vector.extract_strided_slice %shift_left3A_195 {offsets = [4], sizes = [1], strides = [1]} : vector<16xi32> to vector<1xi32>
        %squeeze3A_289 = vector.extract %slice3A_288[0] : i32 from vector<1xi32>
        %mul3A_290 = arith.constant 32 : i32
        %mul3A_291 = arith.muli %scan3A_166, %mul3A_290 : i32
        %add3A_292 = arith.constant 4 : i32
        %add3A_293 = arith.addi %mul3A_291, %add3A_292 : i32
        %get3A_294 = arith.index_cast %add3A_293 : i32 to index
        %get3A_295 = arith.index_cast %squeeze3A_289 : i32 to index
        %get3A_296 = tpu.vector_load %arg10[%get3A_294, %get3A_295] {strides = array<i32>} : memref<512x128xf32, #tpu.memory_space<vmem>>, vector<16xf32>,
        %add3A_297 = arith.constant 16 : i32
        %add3A_298 = arith.addi %squeeze3A_289, %add3A_297 : i32
        %get3A_299 = arith.index_cast %add3A_293 : i32 to index
        %get3A_300 = arith.index_cast %add3A_298 : i32 to index
        %get3A_301 = tpu.vector_load %arg10[%get3A_299, %get3A_300] {strides = array<i32>} : memref<512x128xf32, #tpu.memory_space<vmem>>, vector<16xf32>,
        %add3A_302 = arith.addf %add3A_282, %get3A_296 : vector<16xf32>
        %add3A_303 = arith.addf %add3A_283, %get3A_301 : vector<16xf32>
        %mul3A_304 = arith.mulf %get3A_296, %get3A_296 : vector<16xf32>
        %add3A_305 = arith.addf %add3A_285, %mul3A_304 : vector<16xf32>
        %mul3A_306 = arith.mulf %get3A_301, %get3A_301 : vector<16xf32>
        %add3A_307 = arith.addf %add3A_287, %mul3A_306 : vector<16xf32>
        %slice3A_308 = vector.extract_strided_slice %shift_left3A_195 {offsets = [5], sizes = [1], strides = [1]} : vector<16xi32> to vector<1xi32>
        %squeeze3A_309 = vector.extract %slice3A_308[0] : i32 from vector<1xi32>
        %mul3A_310 = arith.constant 32 : i32
        %mul3A_311 = arith.muli %scan3A_166, %mul3A_310 : i32
        %add3A_312 = arith.constant 5 : i32
        %add3A_313 = arith.addi %mul3A_311, %add3A_312 : i32
        %get3A_314 = arith.index_cast %add3A_313 : i32 to index
        %get3A_315 = arith.index_cast %squeeze3A_309 : i32 to index
        %get3A_316 = tpu.vector_load %arg10[%get3A_314, %get3A_315] {strides = array<i32>} : memref<512x128xf32, #tpu.memory_space<vmem>>, vector<16xf32>,
        %add3A_317 = arith.constant 16 : i32
        %add3A_318 = arith.addi %squeeze3A_309, %add3A_317 : i32
        %get3A_319 = arith.index_cast %add3A_313 : i32 to index
        %get3A_320 = arith.index_cast %add3A_318 : i32 to index
        %get3A_321 = tpu.vector_load %arg10[%get3A_319, %get3A_320] {strides = array<i32>} : memref<512x128xf32, #tpu.memory_space<vmem>>, vector<16xf32>,
        %add3A_322 = arith.addf %add3A_302, %get3A_316 : vector<16xf32>
        %add3A_323 = arith.addf %add3A_303, %get3A_321 : vector<16xf32>
        %mul3A_324 = arith.mulf %get3A_316, %get3A_316 : vector<16xf32>
        %add3A_325 = arith.addf %add3A_305, %mul3A_324 : vector<16xf32>
        %mul3A_326 = arith.mulf %get3A_321, %get3A_321 : vector<16xf32>
        %add3A_327 = arith.addf %add3A_307, %mul3A_326 : vector<16xf32>
        %slice3A_328 = vector.extract_strided_slice %shift_left3A_195 {offsets = [6], sizes = [1], strides = [1]} : vector<16xi32> to vector<1xi32>
        %squeeze3A_329 = vector.extract %slice3A_328[0] : i32 from vector<1xi32>
        %mul3A_330 = arith.constant 32 : i32
        %mul3A_331 = arith.muli %scan3A_166, %mul3A_330 : i32
        %add3A_332 = arith.constant 6 : i32
        %add3A_333 = arith.addi %mul3A_331, %add3A_332 : i32
        %get3A_334 = arith.index_cast %add3A_333 : i32 to index
        %get3A_335 = arith.index_cast %squeeze3A_329 : i32 to index
        %get3A_336 = tpu.vector_load %arg10[%get3A_334, %get3A_335] {strides = array<i32>} : memref<512x128xf32, #tpu.memory_space<vmem>>, vector<16xf32>,
        %add3A_337 = arith.constant 16 : i32
        %add3A_338 = arith.addi %squeeze3A_329, %add3A_337 : i32
        %get3A_339 = arith.index_cast %add3A_333 : i32 to index
        %get3A_340 = arith.index_cast %add3A_338 : i32 to index
        %get3A_341 = tpu.vector_load %arg10[%get3A_339, %get3A_340] {strides = array<i32>} : memref<512x128xf32, #tpu.memory_space<vmem>>, vector<16xf32>,
        %add3A_342 = arith.addf %add3A_322, %get3A_336 : vector<16xf32>
        %add3A_343 = arith.addf %add3A_323, %get3A_341 : vector<16xf32>
        %mul3A_344 = arith.mulf %get3A_336, %get3A_336 : vector<16xf32>
        %add3A_345 = arith.addf %add3A_325, %mul3A_344 : vector<16xf32>
        %mul3A_346 = arith.mulf %get3A_341, %get3A_341 : vector<16xf32>
        %add3A_347 = arith.addf %add3A_327, %mul3A_346 : vector<16xf32>
        %slice3A_348 = vector.extract_strided_slice %shift_left3A_195 {offsets = [7], sizes = [1], strides = [1]} : vector<16xi32> to vector<1xi32>
        %squeeze3A_349 = vector.extract %slice3A_348[0] : i32 from vector<1xi32>
        %mul3A_350 = arith.constant 32 : i32
        %mul3A_351 = arith.muli %scan3A_166, %mul3A_350 : i32
        %add3A_352 = arith.constant 7 : i32
        %add3A_353 = arith.addi %mul3A_351, %add3A_352 : i32
        %get3A_354 = arith.index_cast %add3A_353 : i32 to index
        %get3A_355 = arith.index_cast %squeeze3A_349 : i32 to index
        %get3A_356 = tpu.vector_load %arg10[%get3A_354, %get3A_355] {strides = array<i32>} : memref<512x128xf32, #tpu.memory_space<vmem>>, vector<16xf32>,
        %add3A_357 = arith.constant 16 : i32
        %add3A_358 = arith.addi %squeeze3A_349, %add3A_357 : i32
        %get3A_359 = arith.index_cast %add3A_353 : i32 to index
        %get3A_360 = arith.index_cast %add3A_358 : i32 to index
        %get3A_361 = tpu.vector_load %arg10[%get3A_359, %get3A_360] {strides = array<i32>} : memref<512x128xf32, #tpu.memory_space<vmem>>, vector<16xf32>,
        %add3A_362 = arith.addf %add3A_342, %get3A_356 : vector<16xf32>
        %add3A_363 = arith.addf %add3A_343, %get3A_361 : vector<16xf32>
        %mul3A_364 = arith.mulf %get3A_356, %get3A_356 : vector<16xf32>
        %add3A_365 = arith.addf %add3A_345, %mul3A_364 : vector<16xf32>
        %mul3A_366 = arith.mulf %get3A_361, %get3A_361 : vector<16xf32>
        %add3A_367 = arith.addf %add3A_347, %mul3A_366 : vector<16xf32>
        %slice3A_368 = vector.extract_strided_slice %shift_left3A_195 {offsets = [8], sizes = [1], strides = [1]} : vector<16xi32> to vector<1xi32>
        %squeeze3A_369 = vector.extract %slice3A_368[0] : i32 from vector<1xi32>
        %mul3A_370 = arith.constant 32 : i32
        %mul3A_371 = arith.muli %scan3A_166, %mul3A_370 : i32
        %add3A_372 = arith.constant 8 : i32
        %add3A_373 = arith.addi %mul3A_371, %add3A_372 : i32
        %get3A_374 = arith.index_cast %add3A_373 : i32 to index
        %get3A_375 = arith.index_cast %squeeze3A_369 : i32 to index
        %get3A_376 = tpu.vector_load %arg10[%get3A_374, %get3A_375] {strides = array<i32>} : memref<512x128xf32, #tpu.memory_space<vmem>>, vector<16xf32>,
        %add3A_377 = arith.constant 16 : i32
        %add3A_378 = arith.addi %squeeze3A_369, %add3A_377 : i32
        %get3A_379 = arith.index_cast %add3A_373 : i32 to index
        %get3A_380 = arith.index_cast %add3A_378 : i32 to index
        %get3A_381 = tpu.vector_load %arg10[%get3A_379, %get3A_380] {strides = array<i32>} : memref<512x128xf32, #tpu.memory_space<vmem>>, vector<16xf32>,
        %add3A_382 = arith.addf %add3A_362, %get3A_376 : vector<16xf32>
        %add3A_383 = arith.addf %add3A_363, %get3A_381 : vector<16xf32>
        %mul3A_384 = arith.mulf %get3A_376, %get3A_376 : vector<16xf32>
        %add3A_385 = arith.addf %add3A_365, %mul3A_384 : vector<16xf32>
        %mul3A_386 = arith.mulf %get3A_381, %get3A_381 : vector<16xf32>
        %add3A_387 = arith.addf %add3A_367, %mul3A_386 : vector<16xf32>
        %slice3A_388 = vector.extract_strided_slice %shift_left3A_195 {offsets = [9], sizes = [1], strides = [1]} : vector<16xi32> to vector<1xi32>
        %squeeze3A_389 = vector.extract %slice3A_388[0] : i32 from vector<1xi32>
        %mul3A_390 = arith.constant 32 : i32
        %mul3A_391 = arith.muli %scan3A_166, %mul3A_390 : i32
        %add3A_392 = arith.constant 9 : i32
        %add3A_393 = arith.addi %mul3A_391, %add3A_392 : i32
        %get3A_394 = arith.index_cast %add3A_393 : i32 to index
        %get3A_395 = arith.index_cast %squeeze3A_389 : i32 to index
        %get3A_396 = tpu.vector_load %arg10[%get3A_394, %get3A_395] {strides = array<i32>} : memref<512x128xf32, #tpu.memory_space<vmem>>, vector<16xf32>,
        %add3A_397 = arith.constant 16 : i32
        %add3A_398 = arith.addi %squeeze3A_389, %add3A_397 : i32
        %get3A_399 = arith.index_cast %add3A_393 : i32 to index
        %get3A_400 = arith.index_cast %add3A_398 : i32 to index
        %get3A_401 = tpu.vector_load %arg10[%get3A_399, %get3A_400] {strides = array<i32>} : memref<512x128xf32, #tpu.memory_space<vmem>>, vector<16xf32>,
        %add3A_402 = arith.addf %add3A_382, %get3A_396 : vector<16xf32>
        %add3A_403 = arith.addf %add3A_383, %get3A_401 : vector<16xf32>
        %mul3A_404 = arith.mulf %get3A_396, %get3A_396 : vector<16xf32>
        %add3A_405 = arith.addf %add3A_385, %mul3A_404 : vector<16xf32>
        %mul3A_406 = arith.mulf %get3A_401, %get3A_401 : vector<16xf32>
        %add3A_407 = arith.addf %add3A_387, %mul3A_406 : vector<16xf32>
        %slice3A_408 = vector.extract_strided_slice %shift_left3A_195 {offsets = [10], sizes = [1], strides = [1]} : vector<16xi32> to vector<1xi32>
        %squeeze3A_409 = vector.extract %slice3A_408[0] : i32 from vector<1xi32>
        %mul3A_410 = arith.constant 32 : i32
        %mul3A_411 = arith.muli %scan3A_166, %mul3A_410 : i32
        %add3A_412 = arith.constant 10 : i32
        %add3A_413 = arith.addi %mul3A_411, %add3A_412 : i32
        %get3A_414 = arith.index_cast %add3A_413 : i32 to index
        %get3A_415 = arith.index_cast %squeeze3A_409 : i32 to index
        %get3A_416 = tpu.vector_load %arg10[%get3A_414, %get3A_415] {strides = array<i32>} : memref<512x128xf32, #tpu.memory_space<vmem>>, vector<16xf32>,
        %add3A_417 = arith.constant 16 : i32
        %add3A_418 = arith.addi %squeeze3A_409, %add3A_417 : i32
        %get3A_419 = arith.index_cast %add3A_413 : i32 to index
        %get3A_420 = arith.index_cast %add3A_418 : i32 to index
        %get3A_421 = tpu.vector_load %arg10[%get3A_419, %get3A_420] {strides = array<i32>} : memref<512x128xf32, #tpu.memory_space<vmem>>, vector<16xf32>,
        %add3A_422 = arith.addf %add3A_402, %get3A_416 : vector<16xf32>
        %add3A_423 = arith.addf %add3A_403, %get3A_421 : vector<16xf32>
        %mul3A_424 = arith.mulf %get3A_416, %get3A_416 : vector<16xf32>
        %add3A_425 = arith.addf %add3A_405, %mul3A_424 : vector<16xf32>
        %mul3A_426 = arith.mulf %get3A_421, %get3A_421 : vector<16xf32>
        %add3A_427 = arith.addf %add3A_407, %mul3A_426 : vector<16xf32>
        %slice3A_428 = vector.extract_strided_slice %shift_left3A_195 {offsets = [11], sizes = [1], strides = [1]} : vector<16xi32> to vector<1xi32>
        %squeeze3A_429 = vector.extract %slice3A_428[0] : i32 from vector<1xi32>
        %mul3A_430 = arith.constant 32 : i32
        %mul3A_431 = arith.muli %scan3A_166, %mul3A_430 : i32
        %add3A_432 = arith.constant 11 : i32
        %add3A_433 = arith.addi %mul3A_431, %add3A_432 : i32
        %get3A_434 = arith.index_cast %add3A_433 : i32 to index
        %get3A_435 = arith.index_cast %squeeze3A_429 : i32 to index
        %get3A_436 = tpu.vector_load %arg10[%get3A_434, %get3A_435] {strides = array<i32>} : memref<512x128xf32, #tpu.memory_space<vmem>>, vector<16xf32>,
        %add3A_437 = arith.constant 16 : i32
        %add3A_438 = arith.addi %squeeze3A_429, %add3A_437 : i32
        %get3A_439 = arith.index_cast %add3A_433 : i32 to index
        %get3A_440 = arith.index_cast %add3A_438 : i32 to index
        %get3A_441 = tpu.vector_load %arg10[%get3A_439, %get3A_440] {strides = array<i32>} : memref<512x128xf32, #tpu.memory_space<vmem>>, vector<16xf32>,
        %add3A_442 = arith.addf %add3A_422, %get3A_436 : vector<16xf32>
        %add3A_443 = arith.addf %add3A_423, %get3A_441 : vector<16xf32>
        %mul3A_444 = arith.mulf %get3A_436, %get3A_436 : vector<16xf32>
        %add3A_445 = arith.addf %add3A_425, %mul3A_444 : vector<16xf32>
        %mul3A_446 = arith.mulf %get3A_441, %get3A_441 : vector<16xf32>
        %add3A_447 = arith.addf %add3A_427, %mul3A_446 : vector<16xf32>
        %slice3A_448 = vector.extract_strided_slice %shift_left3A_195 {offsets = [12], sizes = [1], strides = [1]} : vector<16xi32> to vector<1xi32>
        %squeeze3A_449 = vector.extract %slice3A_448[0] : i32 from vector<1xi32>
        %mul3A_450 = arith.constant 32 : i32
        %mul3A_451 = arith.muli %scan3A_166, %mul3A_450 : i32
        %add3A_452 = arith.constant 12 : i32
        %add3A_453 = arith.addi %mul3A_451, %add3A_452 : i32
        %get3A_454 = arith.index_cast %add3A_453 : i32 to index
        %get3A_455 = arith.index_cast %squeeze3A_449 : i32 to index
        %get3A_456 = tpu.vector_load %arg10[%get3A_454, %get3A_455] {strides = array<i32>} : memref<512x128xf32, #tpu.memory_space<vmem>>, vector<16xf32>,
        %add3A_457 = arith.constant 16 : i32
        %add3A_458 = arith.addi %squeeze3A_449, %add3A_457 : i32
        %get3A_459 = arith.index_cast %add3A_453 : i32 to index
        %get3A_460 = arith.index_cast %add3A_458 : i32 to index
        %get3A_461 = tpu.vector_load %arg10[%get3A_459, %get3A_460] {strides = array<i32>} : memref<512x128xf32, #tpu.memory_space<vmem>>, vector<16xf32>,
        %add3A_462 = arith.addf %add3A_442, %get3A_456 : vector<16xf32>
        %add3A_463 = arith.addf %add3A_443, %get3A_461 : vector<16xf32>
        %mul3A_464 = arith.mulf %get3A_456, %get3A_456 : vector<16xf32>
        %add3A_465 = arith.addf %add3A_445, %mul3A_464 : vector<16xf32>
        %mul3A_466 = arith.mulf %get3A_461, %get3A_461 : vector<16xf32>
        %add3A_467 = arith.addf %add3A_447, %mul3A_466 : vector<16xf32>
        %slice3A_468 = vector.extract_strided_slice %shift_left3A_195 {offsets = [13], sizes = [1], strides = [1]} : vector<16xi32> to vector<1xi32>
        %squeeze3A_469 = vector.extract %slice3A_468[0] : i32 from vector<1xi32>
        %mul3A_470 = arith.constant 32 : i32
        %mul3A_471 = arith.muli %scan3A_166, %mul3A_470 : i32
        %add3A_472 = arith.constant 13 : i32
        %add3A_473 = arith.addi %mul3A_471, %add3A_472 : i32
        %get3A_474 = arith.index_cast %add3A_473 : i32 to index
        %get3A_475 = arith.index_cast %squeeze3A_469 : i32 to index
        %get3A_476 = tpu.vector_load %arg10[%get3A_474, %get3A_475] {strides = array<i32>} : memref<512x128xf32, #tpu.memory_space<vmem>>, vector<16xf32>,
        %add3A_477 = arith.constant 16 : i32
        %add3A_478 = arith.addi %squeeze3A_469, %add3A_477 : i32
        %get3A_479 = arith.index_cast %add3A_473 : i32 to index
        %get3A_480 = arith.index_cast %add3A_478 : i32 to index
        %get3A_481 = tpu.vector_load %arg10[%get3A_479, %get3A_480] {strides = array<i32>} : memref<512x128xf32, #tpu.memory_space<vmem>>, vector<16xf32>,
        %add3A_482 = arith.addf %add3A_462, %get3A_476 : vector<16xf32>
        %add3A_483 = arith.addf %add3A_463, %get3A_481 : vector<16xf32>
        %mul3A_484 = arith.mulf %get3A_476, %get3A_476 : vector<16xf32>
        %add3A_485 = arith.addf %add3A_465, %mul3A_484 : vector<16xf32>
        %mul3A_486 = arith.mulf %get3A_481, %get3A_481 : vector<16xf32>
        %add3A_487 = arith.addf %add3A_467, %mul3A_486 : vector<16xf32>
        %slice3A_488 = vector.extract_strided_slice %shift_left3A_195 {offsets = [14], sizes = [1], strides = [1]} : vector<16xi32> to vector<1xi32>
        %squeeze3A_489 = vector.extract %slice3A_488[0] : i32 from vector<1xi32>
        %mul3A_490 = arith.constant 32 : i32
        %mul3A_491 = arith.muli %scan3A_166, %mul3A_490 : i32
        %add3A_492 = arith.constant 14 : i32
        %add3A_493 = arith.addi %mul3A_491, %add3A_492 : i32
        %get3A_494 = arith.index_cast %add3A_493 : i32 to index
        %get3A_495 = arith.index_cast %squeeze3A_489 : i32 to index
        %get3A_496 = tpu.vector_load %arg10[%get3A_494, %get3A_495] {strides = array<i32>} : memref<512x128xf32, #tpu.memory_space<vmem>>, vector<16xf32>,
        %add3A_497 = arith.constant 16 : i32
        %add3A_498 = arith.addi %squeeze3A_489, %add3A_497 : i32
        %get3A_499 = arith.index_cast %add3A_493 : i32 to index
        %get3A_500 = arith.index_cast %add3A_498 : i32 to index
        %get3A_501 = tpu.vector_load %arg10[%get3A_499, %get3A_500] {strides = array<i32>} : memref<512x128xf32, #tpu.memory_space<vmem>>, vector<16xf32>,
        %add3A_502 = arith.addf %add3A_482, %get3A_496 : vector<16xf32>
        %add3A_503 = arith.addf %add3A_483, %get3A_501 : vector<16xf32>
        %mul3A_504 = arith.mulf %get3A_496, %get3A_496 : vector<16xf32>
        %add3A_505 = arith.addf %add3A_485, %mul3A_504 : vector<16xf32>
        %mul3A_506 = arith.mulf %get3A_501, %get3A_501 : vector<16xf32>
        %add3A_507 = arith.addf %add3A_487, %mul3A_506 : vector<16xf32>
        %slice3A_508 = vector.extract_strided_slice %shift_left3A_195 {offsets = [15], sizes = [1], strides = [1]} : vector<16xi32> to vector<1xi32>
        %squeeze3A_509 = vector.extract %slice3A_508[0] : i32 from vector<1xi32>
        %mul3A_510 = arith.constant 32 : i32
        %mul3A_511 = arith.muli %scan3A_166, %mul3A_510 : i32
        %add3A_512 = arith.constant 15 : i32
        %add3A_513 = arith.addi %mul3A_511, %add3A_512 : i32
        %get3A_514 = arith.index_cast %add3A_513 : i32 to index
        %get3A_515 = arith.index_cast %squeeze3A_509 : i32 to index
        %get3A_516 = tpu.vector_load %arg10[%get3A_514, %get3A_515] {strides = array<i32>} : memref<512x128xf32, #tpu.memory_space<vmem>>, vector<16xf32>,
        %add3A_517 = arith.constant 16 : i32
        %add3A_518 = arith.addi %squeeze3A_509, %add3A_517 : i32
        %get3A_519 = arith.index_cast %add3A_513 : i32 to index
        %get3A_520 = arith.index_cast %add3A_518 : i32 to index
        %get3A_521 = tpu.vector_load %arg10[%get3A_519, %get3A_520] {strides = array<i32>} : memref<512x128xf32, #tpu.memory_space<vmem>>, vector<16xf32>,
        %add3A_522 = arith.addf %add3A_502, %get3A_516 : vector<16xf32>
        %add3A_523 = arith.addf %add3A_503, %get3A_521 : vector<16xf32>
        %mul3A_524 = arith.mulf %get3A_516, %get3A_516 : vector<16xf32>
        %add3A_525 = arith.addf %add3A_505, %mul3A_524 : vector<16xf32>
        %mul3A_526 = arith.mulf %get3A_521, %get3A_521 : vector<16xf32>
        %add3A_527 = arith.addf %add3A_507, %mul3A_526 : vector<16xf32>
        %slice3A_528 = vector.extract_strided_slice %shift_left3A_201 {offsets = [0], sizes = [1], strides = [1]} : vector<16xi32> to vector<1xi32>
        %squeeze3A_529 = vector.extract %slice3A_528[0] : i32 from vector<1xi32>
        %mul3A_530 = arith.constant 32 : i32
        %mul3A_531 = arith.muli %scan3A_166, %mul3A_530 : i32
        %add3A_532 = arith.constant 16 : i32
        %add3A_533 = arith.addi %mul3A_531, %add3A_532 : i32
        %get3A_534 = arith.index_cast %add3A_533 : i32 to index
        %get3A_535 = arith.index_cast %squeeze3A_529 : i32 to index
        %get3A_536 = tpu.vector_load %arg10[%get3A_534, %get3A_535] {strides = array<i32>} : memref<512x128xf32, #tpu.memory_space<vmem>>, vector<16xf32>,
        %add3A_537 = arith.constant 16 : i32
        %add3A_538 = arith.addi %squeeze3A_529, %add3A_537 : i32
        %get3A_539 = arith.index_cast %add3A_533 : i32 to index
        %get3A_540 = arith.index_cast %add3A_538 : i32 to index
        %get3A_541 = tpu.vector_load %arg10[%get3A_539, %get3A_540] {strides = array<i32>} : memref<512x128xf32, #tpu.memory_space<vmem>>, vector<16xf32>,
        %add3A_542 = arith.addf %add3A_522, %get3A_536 : vector<16xf32>
        %add3A_543 = arith.addf %add3A_523, %get3A_541 : vector<16xf32>
        %mul3A_544 = arith.mulf %get3A_536, %get3A_536 : vector<16xf32>
        %add3A_545 = arith.addf %add3A_525, %mul3A_544 : vector<16xf32>
        %mul3A_546 = arith.mulf %get3A_541, %get3A_541 : vector<16xf32>
        %add3A_547 = arith.addf %add3A_527, %mul3A_546 : vector<16xf32>
        %slice3A_548 = vector.extract_strided_slice %shift_left3A_201 {offsets = [1], sizes = [1], strides = [1]} : vector<16xi32> to vector<1xi32>
        %squeeze3A_549 = vector.extract %slice3A_548[0] : i32 from vector<1xi32>
        %mul3A_550 = arith.constant 32 : i32
        %mul3A_551 = arith.muli %scan3A_166, %mul3A_550 : i32
        %add3A_552 = arith.constant 17 : i32
        %add3A_553 = arith.addi %mul3A_551, %add3A_552 : i32
        %get3A_554 = arith.index_cast %add3A_553 : i32 to index
        %get3A_555 = arith.index_cast %squeeze3A_549 : i32 to index
        %get3A_556 = tpu.vector_load %arg10[%get3A_554, %get3A_555] {strides = array<i32>} : memref<512x128xf32, #tpu.memory_space<vmem>>, vector<16xf32>,
        %add3A_557 = arith.constant 16 : i32
        %add3A_558 = arith.addi %squeeze3A_549, %add3A_557 : i32
        %get3A_559 = arith.index_cast %add3A_553 : i32 to index
        %get3A_560 = arith.index_cast %add3A_558 : i32 to index
        %get3A_561 = tpu.vector_load %arg10[%get3A_559, %get3A_560] {strides = array<i32>} : memref<512x128xf32, #tpu.memory_space<vmem>>, vector<16xf32>,
        %add3A_562 = arith.addf %add3A_542, %get3A_556 : vector<16xf32>
        %add3A_563 = arith.addf %add3A_543, %get3A_561 : vector<16xf32>
        %mul3A_564 = arith.mulf %get3A_556, %get3A_556 : vector<16xf32>
        %add3A_565 = arith.addf %add3A_545, %mul3A_564 : vector<16xf32>
        %mul3A_566 = arith.mulf %get3A_561, %get3A_561 : vector<16xf32>
        %add3A_567 = arith.addf %add3A_547, %mul3A_566 : vector<16xf32>
        %slice3A_568 = vector.extract_strided_slice %shift_left3A_201 {offsets = [2], sizes = [1], strides = [1]} : vector<16xi32> to vector<1xi32>
        %squeeze3A_569 = vector.extract %slice3A_568[0] : i32 from vector<1xi32>
        %mul3A_570 = arith.constant 32 : i32
        %mul3A_571 = arith.muli %scan3A_166, %mul3A_570 : i32
        %add3A_572 = arith.constant 18 : i32
        %add3A_573 = arith.addi %mul3A_571, %add3A_572 : i32
        %get3A_574 = arith.index_cast %add3A_573 : i32 to index
        %get3A_575 = arith.index_cast %squeeze3A_569 : i32 to index
        %get3A_576 = tpu.vector_load %arg10[%get3A_574, %get3A_575] {strides = array<i32>} : memref<512x128xf32, #tpu.memory_space<vmem>>, vector<16xf32>,
        %add3A_577 = arith.constant 16 : i32
        %add3A_578 = arith.addi %squeeze3A_569, %add3A_577 : i32
        %get3A_579 = arith.index_cast %add3A_573 : i32 to index
        %get3A_580 = arith.index_cast %add3A_578 : i32 to index
        %get3A_581 = tpu.vector_load %arg10[%get3A_579, %get3A_580] {strides = array<i32>} : memref<512x128xf32, #tpu.memory_space<vmem>>, vector<16xf32>,
        %add3A_582 = arith.addf %add3A_562, %get3A_576 : vector<16xf32>
        %add3A_583 = arith.addf %add3A_563, %get3A_581 : vector<16xf32>
        %mul3A_584 = arith.mulf %get3A_576, %get3A_576 : vector<16xf32>
        %add3A_585 = arith.addf %add3A_565, %mul3A_584 : vector<16xf32>
        %mul3A_586 = arith.mulf %get3A_581, %get3A_581 : vector<16xf32>
        %add3A_587 = arith.addf %add3A_567, %mul3A_586 : vector<16xf32>
        %slice3A_588 = vector.extract_strided_slice %shift_left3A_201 {offsets = [3], sizes = [1], strides = [1]} : vector<16xi32> to vector<1xi32>
        %squeeze3A_589 = vector.extract %slice3A_588[0] : i32 from vector<1xi32>
        %mul3A_590 = arith.constant 32 : i32
        %mul3A_591 = arith.muli %scan3A_166, %mul3A_590 : i32
        %add3A_592 = arith.constant 19 : i32
        %add3A_593 = arith.addi %mul3A_591, %add3A_592 : i32
        %get3A_594 = arith.index_cast %add3A_593 : i32 to index
        %get3A_595 = arith.index_cast %squeeze3A_589 : i32 to index
        %get3A_596 = tpu.vector_load %arg10[%get3A_594, %get3A_595] {strides = array<i32>} : memref<512x128xf32, #tpu.memory_space<vmem>>, vector<16xf32>,
        %add3A_597 = arith.constant 16 : i32
        %add3A_598 = arith.addi %squeeze3A_589, %add3A_597 : i32
        %get3A_599 = arith.index_cast %add3A_593 : i32 to index
        %get3A_600 = arith.index_cast %add3A_598 : i32 to index
        %get3A_601 = tpu.vector_load %arg10[%get3A_599, %get3A_600] {strides = array<i32>} : memref<512x128xf32, #tpu.memory_space<vmem>>, vector<16xf32>,
        %add3A_602 = arith.addf %add3A_582, %get3A_596 : vector<16xf32>
        %add3A_603 = arith.addf %add3A_583, %get3A_601 : vector<16xf32>
        %mul3A_604 = arith.mulf %get3A_596, %get3A_596 : vector<16xf32>
        %add3A_605 = arith.addf %add3A_585, %mul3A_604 : vector<16xf32>
        %mul3A_606 = arith.mulf %get3A_601, %get3A_601 : vector<16xf32>
        %add3A_607 = arith.addf %add3A_587, %mul3A_606 : vector<16xf32>
        %slice3A_608 = vector.extract_strided_slice %shift_left3A_201 {offsets = [4], sizes = [1], strides = [1]} : vector<16xi32> to vector<1xi32>
        %squeeze3A_609 = vector.extract %slice3A_608[0] : i32 from vector<1xi32>
        %mul3A_610 = arith.constant 32 : i32
        %mul3A_611 = arith.muli %scan3A_166, %mul3A_610 : i32
        %add3A_612 = arith.constant 20 : i32
        %add3A_613 = arith.addi %mul3A_611, %add3A_612 : i32
        %get3A_614 = arith.index_cast %add3A_613 : i32 to index
        %get3A_615 = arith.index_cast %squeeze3A_609 : i32 to index
        %get3A_616 = tpu.vector_load %arg10[%get3A_614, %get3A_615] {strides = array<i32>} : memref<512x128xf32, #tpu.memory_space<vmem>>, vector<16xf32>,
        %add3A_617 = arith.constant 16 : i32
        %add3A_618 = arith.addi %squeeze3A_609, %add3A_617 : i32
        %get3A_619 = arith.index_cast %add3A_613 : i32 to index
        %get3A_620 = arith.index_cast %add3A_618 : i32 to index
        %get3A_621 = tpu.vector_load %arg10[%get3A_619, %get3A_620] {strides = array<i32>} : memref<512x128xf32, #tpu.memory_space<vmem>>, vector<16xf32>,
        %add3A_622 = arith.addf %add3A_602, %get3A_616 : vector<16xf32>
        %add3A_623 = arith.addf %add3A_603, %get3A_621 : vector<16xf32>
        %mul3A_624 = arith.mulf %get3A_616, %get3A_616 : vector<16xf32>
        %add3A_625 = arith.addf %add3A_605, %mul3A_624 : vector<16xf32>
        %mul3A_626 = arith.mulf %get3A_621, %get3A_621 : vector<16xf32>
        %add3A_627 = arith.addf %add3A_607, %mul3A_626 : vector<16xf32>
        %slice3A_628 = vector.extract_strided_slice %shift_left3A_201 {offsets = [5], sizes = [1], strides = [1]} : vector<16xi32> to vector<1xi32>
        %squeeze3A_629 = vector.extract %slice3A_628[0] : i32 from vector<1xi32>
        %mul3A_630 = arith.constant 32 : i32
        %mul3A_631 = arith.muli %scan3A_166, %mul3A_630 : i32
        %add3A_632 = arith.constant 21 : i32
        %add3A_633 = arith.addi %mul3A_631, %add3A_632 : i32
        %get3A_634 = arith.index_cast %add3A_633 : i32 to index
        %get3A_635 = arith.index_cast %squeeze3A_629 : i32 to index
        %get3A_636 = tpu.vector_load %arg10[%get3A_634, %get3A_635] {strides = array<i32>} : memref<512x128xf32, #tpu.memory_space<vmem>>, vector<16xf32>,
        %add3A_637 = arith.constant 16 : i32
        %add3A_638 = arith.addi %squeeze3A_629, %add3A_637 : i32
        %get3A_639 = arith.index_cast %add3A_633 : i32 to index
        %get3A_640 = arith.index_cast %add3A_638 : i32 to index
        %get3A_641 = tpu.vector_load %arg10[%get3A_639, %get3A_640] {strides = array<i32>} : memref<512x128xf32, #tpu.memory_space<vmem>>, vector<16xf32>,
        %add3A_642 = arith.addf %add3A_622, %get3A_636 : vector<16xf32>
        %add3A_643 = arith.addf %add3A_623, %get3A_641 : vector<16xf32>
        %mul3A_644 = arith.mulf %get3A_636, %get3A_636 : vector<16xf32>
        %add3A_645 = arith.addf %add3A_625, %mul3A_644 : vector<16xf32>
        %mul3A_646 = arith.mulf %get3A_641, %get3A_641 : vector<16xf32>
        %add3A_647 = arith.addf %add3A_627, %mul3A_646 : vector<16xf32>
        %slice3A_648 = vector.extract_strided_slice %shift_left3A_201 {offsets = [6], sizes = [1], strides = [1]} : vector<16xi32> to vector<1xi32>
        %squeeze3A_649 = vector.extract %slice3A_648[0] : i32 from vector<1xi32>
        %mul3A_650 = arith.constant 32 : i32
        %mul3A_651 = arith.muli %scan3A_166, %mul3A_650 : i32
        %add3A_652 = arith.constant 22 : i32
        %add3A_653 = arith.addi %mul3A_651, %add3A_652 : i32
        %get3A_654 = arith.index_cast %add3A_653 : i32 to index
        %get3A_655 = arith.index_cast %squeeze3A_649 : i32 to index
        %get3A_656 = tpu.vector_load %arg10[%get3A_654, %get3A_655] {strides = array<i32>} : memref<512x128xf32, #tpu.memory_space<vmem>>, vector<16xf32>,
        %add3A_657 = arith.constant 16 : i32
        %add3A_658 = arith.addi %squeeze3A_649, %add3A_657 : i32
        %get3A_659 = arith.index_cast %add3A_653 : i32 to index
        %get3A_660 = arith.index_cast %add3A_658 : i32 to index
        %get3A_661 = tpu.vector_load %arg10[%get3A_659, %get3A_660] {strides = array<i32>} : memref<512x128xf32, #tpu.memory_space<vmem>>, vector<16xf32>,
        %add3A_662 = arith.addf %add3A_642, %get3A_656 : vector<16xf32>
        %add3A_663 = arith.addf %add3A_643, %get3A_661 : vector<16xf32>
        %mul3A_664 = arith.mulf %get3A_656, %get3A_656 : vector<16xf32>
        %add3A_665 = arith.addf %add3A_645, %mul3A_664 : vector<16xf32>
        %mul3A_666 = arith.mulf %get3A_661, %get3A_661 : vector<16xf32>
        %add3A_667 = arith.addf %add3A_647, %mul3A_666 : vector<16xf32>
        %slice3A_668 = vector.extract_strided_slice %shift_left3A_201 {offsets = [7], sizes = [1], strides = [1]} : vector<16xi32> to vector<1xi32>
        %squeeze3A_669 = vector.extract %slice3A_668[0] : i32 from vector<1xi32>
        %mul3A_670 = arith.constant 32 : i32
        %mul3A_671 = arith.muli %scan3A_166, %mul3A_670 : i32
        %add3A_672 = arith.constant 23 : i32
        %add3A_673 = arith.addi %mul3A_671, %add3A_672 : i32
        %get3A_674 = arith.index_cast %add3A_673 : i32 to index
        %get3A_675 = arith.index_cast %squeeze3A_669 : i32 to index
        %get3A_676 = tpu.vector_load %arg10[%get3A_674, %get3A_675] {strides = array<i32>} : memref<512x128xf32, #tpu.memory_space<vmem>>, vector<16xf32>,
        %add3A_677 = arith.constant 16 : i32
        %add3A_678 = arith.addi %squeeze3A_669, %add3A_677 : i32
        %get3A_679 = arith.index_cast %add3A_673 : i32 to index
        %get3A_680 = arith.index_cast %add3A_678 : i32 to index
        %get3A_681 = tpu.vector_load %arg10[%get3A_679, %get3A_680] {strides = array<i32>} : memref<512x128xf32, #tpu.memory_space<vmem>>, vector<16xf32>,
        %add3A_682 = arith.addf %add3A_662, %get3A_676 : vector<16xf32>
        %add3A_683 = arith.addf %add3A_663, %get3A_681 : vector<16xf32>
        %mul3A_684 = arith.mulf %get3A_676, %get3A_676 : vector<16xf32>
        %add3A_685 = arith.addf %add3A_665, %mul3A_684 : vector<16xf32>
        %mul3A_686 = arith.mulf %get3A_681, %get3A_681 : vector<16xf32>
        %add3A_687 = arith.addf %add3A_667, %mul3A_686 : vector<16xf32>
        %slice3A_688 = vector.extract_strided_slice %shift_left3A_201 {offsets = [8], sizes = [1], strides = [1]} : vector<16xi32> to vector<1xi32>
        %squeeze3A_689 = vector.extract %slice3A_688[0] : i32 from vector<1xi32>
        %mul3A_690 = arith.constant 32 : i32
        %mul3A_691 = arith.muli %scan3A_166, %mul3A_690 : i32
        %add3A_692 = arith.constant 24 : i32
        %add3A_693 = arith.addi %mul3A_691, %add3A_692 : i32
        %get3A_694 = arith.index_cast %add3A_693 : i32 to index
        %get3A_695 = arith.index_cast %squeeze3A_689 : i32 to index
        %get3A_696 = tpu.vector_load %arg10[%get3A_694, %get3A_695] {strides = array<i32>} : memref<512x128xf32, #tpu.memory_space<vmem>>, vector<16xf32>,
        %add3A_697 = arith.constant 16 : i32
        %add3A_698 = arith.addi %squeeze3A_689, %add3A_697 : i32
        %get3A_699 = arith.index_cast %add3A_693 : i32 to index
        %get3A_700 = arith.index_cast %add3A_698 : i32 to index
        %get3A_701 = tpu.vector_load %arg10[%get3A_699, %get3A_700] {strides = array<i32>} : memref<512x128xf32, #tpu.memory_space<vmem>>, vector<16xf32>,
        %add3A_702 = arith.addf %add3A_682, %get3A_696 : vector<16xf32>
        %add3A_703 = arith.addf %add3A_683, %get3A_701 : vector<16xf32>
        %mul3A_704 = arith.mulf %get3A_696, %get3A_696 : vector<16xf32>
        %add3A_705 = arith.addf %add3A_685, %mul3A_704 : vector<16xf32>
        %mul3A_706 = arith.mulf %get3A_701, %get3A_701 : vector<16xf32>
        %add3A_707 = arith.addf %add3A_687, %mul3A_706 : vector<16xf32>
        %slice3A_708 = vector.extract_strided_slice %shift_left3A_201 {offsets = [9], sizes = [1], strides = [1]} : vector<16xi32> to vector<1xi32>
        %squeeze3A_709 = vector.extract %slice3A_708[0] : i32 from vector<1xi32>
        %mul3A_710 = arith.constant 32 : i32
        %mul3A_711 = arith.muli %scan3A_166, %mul3A_710 : i32
        %add3A_712 = arith.constant 25 : i32
        %add3A_713 = arith.addi %mul3A_711, %add3A_712 : i32
        %get3A_714 = arith.index_cast %add3A_713 : i32 to index
        %get3A_715 = arith.index_cast %squeeze3A_709 : i32 to index
        %get3A_716 = tpu.vector_load %arg10[%get3A_714, %get3A_715] {strides = array<i32>} : memref<512x128xf32, #tpu.memory_space<vmem>>, vector<16xf32>,
        %add3A_717 = arith.constant 16 : i32
        %add3A_718 = arith.addi %squeeze3A_709, %add3A_717 : i32
        %get3A_719 = arith.index_cast %add3A_713 : i32 to index
        %get3A_720 = arith.index_cast %add3A_718 : i32 to index
        %get3A_721 = tpu.vector_load %arg10[%get3A_719, %get3A_720] {strides = array<i32>} : memref<512x128xf32, #tpu.memory_space<vmem>>, vector<16xf32>,
        %add3A_722 = arith.addf %add3A_702, %get3A_716 : vector<16xf32>
        %add3A_723 = arith.addf %add3A_703, %get3A_721 : vector<16xf32>
        %mul3A_724 = arith.mulf %get3A_716, %get3A_716 : vector<16xf32>
        %add3A_725 = arith.addf %add3A_705, %mul3A_724 : vector<16xf32>
        %mul3A_726 = arith.mulf %get3A_721, %get3A_721 : vector<16xf32>
        %add3A_727 = arith.addf %add3A_707, %mul3A_726 : vector<16xf32>
        %mul3A_728 = arith.constant 32 : i32
        %mul3A_729 = arith.muli %scan3A_166, %mul3A_728 : i32
        %get3A_730 = arith.index_cast %mul3A_729 : i32 to index
        %get3A_731 = tpu.vector_load %arg11[%get3A_730] {strides = array<i32>} : memref<512xf32, #tpu.memory_space<vmem>>, vector<16xf32>,
        %mul3A_732 = arith.constant 32 : i32
        %mul3A_733 = arith.muli %scan3A_166, %mul3A_732 : i32
        %add3A_734 = arith.constant 16 : i32
        %add3A_735 = arith.addi %mul3A_733, %add3A_734 : i32
        %get3A_736 = arith.index_cast %add3A_735 : i32 to index
        %get3A_737 = tpu.vector_load %arg11[%get3A_736] {strides = array<i32>} : memref<512xf32, #tpu.memory_space<vmem>>, vector<16xf32>,
        %jit3A_738 = arith.constant 0.000000e+00 : f32
        %broadcast_in_dim3A_739 = vector.broadcast %jit3A_738 : f32 to vector<16xf32>
        %select_n3A_740 = arith.select %lt3A_4, %get3A_737, %broadcast_in_dim3A_739 : vector<16xi1>, vector<16xf32>
        %mul3A_741 = arith.mulf %add3A_722, %add3A_722 : vector<16xf32>
        %sub3A = arith.subf %mul3A_741, %add3A_725 : vector<16xf32>
        %mul3A_742 = arith.mulf %add3A_723, %add3A_723 : vector<16xf32>
        %add3A_743 = arith.addf %sub3A, %mul3A_742 : vector<16xf32>
        %sub3A_744 = arith.subf %add3A_743, %add3A_727 : vector<16xf32>
        %mul3A_745 = arith.constant 5.000000e-01 : f32
        %mul3A_746 = vector.broadcast %mul3A_745 : f32 to vector<16xf32>
        %mul3A_747 = arith.mulf %sub3A_744, %mul3A_746 : vector<16xf32>
        %add3A_748 = arith.addf %mul3A_747, %get3A_731 : vector<16xf32>
        %add3A_749 = arith.addf %add3A_748, %select_n3A_740 : vector<16xf32>
        %add3A_750 = arith.addf %add3A_749, %select_n3A : vector<16xf32>
        %reduce_sum3A = arith.constant true
        %reduce_sum3A_751 = vector.broadcast %reduce_sum3A : i1 to vector<16xi1>
        %reduce_sum3A_752 = tpu.scan <sum>, %add3A_750 masked %reduce_sum3A_751 : vector<16xf32>, vector<16xi1> -> vector<16xf32>
        %reduce_sum3A_753 = vector.extract %reduce_sum3A_752[15] : f32 from vector<16xf32>
        %mul3A_754 = arith.constant 16 : i32
        %mul3A_755 = arith.muli %scan3A_17, %mul3A_754 : i32
        %add3A_756 = arith.addi %mul3A_755, %scan3A_166 : i32
        %broadcast_in_dim3A_757 = vector.broadcast %add3A_756 : i32 to vector<16xi32>
        %broadcast_in_dim3A_758 = vector.broadcast %reduce_sum3A_753 : f32 to vector<16xf32>
        tpu.vector_store_idx %arg12[%broadcast_in_dim3A_757], %broadcast_in_dim3A_758 masked %eq3A_2 : memref<512xf32, #tpu.memory_space<vmem>>[vector<16xi32>], vector<16xf32>, vector<16xi1>
      }
      %scan3A_165 = arith.constant 16 : i32
    }
    %scan3A_14 = arith.constant 32 : i32
    %mul3A_15 = arith.constant 512 : i32
    %mul3A_16 = arith.muli %add3A, %mul3A_15 : i32
    "tpu.region"() ({
      %run_scoped3A = tpu.sem_alloc : memref<!tpu.dma_semaphore, #tpu.memory_space<semaphore_mem>>
      %dma_start3A = tpu.memref_slice %arg7[%mul3A_16] : memref<16384xf32, #tpu.memory_space<hbm>> -> memref<512xf32, #tpu.memory_space<hbm>>
      %dma_start3A_17 = tpu.memref_slice %arg7[%mul3A_16] : memref<16384xf32, #tpu.memory_space<hbm>> -> memref<512xf32, #tpu.memory_space<hbm>>
      tpu.enqueue_dma source(%arg12 : memref<512xf32, #tpu.memory_space<vmem>>) target(%dma_start3A_17 : memref<512xf32, #tpu.memory_space<hbm>>) target_semaphore(%run_scoped3A : memref<!tpu.dma_semaphore, #tpu.memory_space<semaphore_mem>>)
      %dma_wait3A = tpu.memref_slice %arg7[%mul3A_16] : memref<16384xf32, #tpu.memory_space<hbm>> -> memref<512xf32, #tpu.memory_space<hbm>>
      %dma_wait3A_18 = tpu.memref_slice %arg7[%mul3A_16] : memref<16384xf32, #tpu.memory_space<hbm>> -> memref<512xf32, #tpu.memory_space<hbm>>
      tpu.wait_dma2 semaphore(%run_scoped3A : memref<!tpu.dma_semaphore, #tpu.memory_space<semaphore_mem>>) src(%arg12 : memref<512xf32, #tpu.memory_space<vmem>>) dst(%dma_wait3A_18 : memref<512xf32, #tpu.memory_space<hbm>>)
      tpu.yield
    }) : () -> ()
    return
  }
}

</mosaic_0001>

<sc_bundles>
// kernel: kernel.3.cloned.1.call-start
scs
__scs_entry_jumppad:
0x0: {  	(pc) =	sbr.rel $0x88, $3  }
0x1: {  	(tag) =	ssettag $0x0;
	lr =	simm.s32 $0x1  }
0x2: {  	[smem:$0x3F9D] =	sst lr;
	_ =	strace $0xD0000000  }
0x3: {  	_ = 	snop  }
0x4: {  	_ = 	snop  }
0x5: {  	_ = 	snop  }
0x6: {  	_ = 	snop  }
0x7: {  	_ = 	snop  }
__scs_overlays_trampoline_lowered:
0x8: {  	[smem:$0x3FAC] =	sst s0  }
0x9: {  	[smem:$0x3FAD] =	sst s1  }
0xa: {  	[smem:$0x3FAE] =	sst s2  }
0xb: {  	[smem:$0x3FAF] =	sst s3  }
0xc: {  	[smem:$0x3FB0] =	sst s4  }
0xd: {  	[smem:$0x3FB1] =	sst s5  }
0xe: {  	[smem:$0x3FB2] =	sst s6  }
0xf: {  	[smem:$0x3FB3] =	sst s7  }
0x10: {  	[smem:$0x3FB4] =	sst s8  }
0x11: {  	[smem:$0x3FB5] =	sst s9;
	s0 =	simm.s32 @!p0 $0x0  }
0x12: {  	s1 =	sld [smem:$0x3F9B];
	s0 =	simm.s32 @p0 $0x1  }
0x13: {  	[smem:$0x3FB6] =	sst s0;
	s0 =	simm.s32 @!p1 $0x0  }
0x14: {  	s2 =	sld [smem:$0x3F9A];
	s0 =	simm.s32 @p1 $0x1  }
0x15: {  	[smem:$0x3FB7] =	sst s0;
	s0 =	simm.s32 @!p2 $0x0  }
0x16: {  	s3 =	sld [smem:$0x3FDB];
	s0 =	simm.s32 @p2 $0x1  }
0x17: {  	s4 =	simm.s32 $0x1BF5;
	[smem:$0x3FB9] =	sst s0  }
0x18: {  	s0 =	sld [smem:$0x3F9C];
	_ =	swait.ge [sflag:s4], $0x0  }
0x19: {  	s7 =	sld [smem:$0x3F9D]  }
0x1a: {  	s8 =	sadd.s32 $0xFFFFE003, lr  }
0x1b: {  	s9 =	sadd.s32 $0xFFFFFEF7, lr;
	s5 =	simm.s32 $0xFFFFFFFF;
	p2 =	slt.u32 s8, $0xFFFFF086  }
0x1c: {  	p1 =	slt.u32 s9, $0xF7A;
	s5 =	simm.s32 @!p2 $0x0  }
0x1d: {  	s5 =	simm.s32 @p1 $0x1;
	p0 =	seq.s32 s7, s2  }
0x1e: {  	s7 =	smul.u32 @!p0 $0xF7A, s2;
	p2 =	seq.s32 @!p0 s5, $0x0  }
0x1f: {  	s9 =	smul.u32 $0xF7A, s1;
	s8 =	simm.s32 @!p0 $0x1BF5;
	p2 =	por !p2, p0  }
0x20: {  	[sflag:s8] =	ssyncset.s32 @!p0 $0xFFFFF086;
	s6 =	sadd.s32 @!p0 s3, s7;
	s7 =	simm.s32 @!p0 $0x108  }
0x21: {  	s3 =	sadd.s32 s3, s9;
	s6 =	sadd.s32 @!p0 $0x88, s6;
	s7 =	simm.s32 @p2 $0x1082  }
0x22: {  	[simem:s7], [sflag:s8] =	dma.local @!p0 [hbm:s6], $0xF7A  }
0x23: {  	s9 =	sor.u32 $0xD0000000, s2;
	s6 =	simm.s32 $0x108;
	_ =	swait.ge @!p0 [sflag:s8], $0x0  }
0x24: {  	s3 =	sadd.s32 $0x88, s3;
	s6 =	simm.s32 @!p1 $0x1082;
	[sflag:s4] =	ssyncset.s32 $0xFFFFF086  }
0x25: {  	[simem:s6], [sflag:s4] =	dma.local [hbm:s3], $0xF7A  }
0x26: {  	[smem:$0x3F9D] =	sst s1;
	(tag) =	ssettag s2;
	_ =	strace s9  }
0x27: {  	s1 =	sld [smem:$0x3FAD]  }
0x28: {  	s2 =	sld [smem:$0x3FAE]  }
0x29: {  	s4 =	sld [smem:$0x3FB0]  }
0x2a: {  	p0 =	seq.s32 s5, $0x0;
	s5 =	sld [smem:$0x3FB1]  }
0x2b: {  	s6 =	sld [smem:$0x3FB2]  }
0x2c: {  	s7 =	sld [smem:$0x3FB3]  }
0x2d: {  	s3 =	simm.s32 $0x108;
	s8 =	sld [smem:$0x3FB4]  }
0x2e: {  	s3 =	simm.s32 @!p0 $0x1082;
	s9 =	sld [smem:$0x3FB5]  }
0x2f: {  	lr =	sadd.s32 s0, s3;
	s0 =	sld [smem:$0x3FAC]  }
0x30: {  	s3 =	sld [smem:$0x3FAF]  }
0x31: {  	[smem:$0x3FB8] =	sst s10  }
0x32: {  	s10 =	sld [smem:$0x3FB6];
	_ =	sdelay $0x3  }
0x33: {  	p0 =	seq.s32 s10, $0x1;
	s10 =	sld [smem:$0x3FB8];
	_ =	sdelay $0x3  }
0x34: {  	[smem:$0x3FB8] =	sst s10  }
0x35: {  	s10 =	sld [smem:$0x3FB7];
	_ =	sdelay $0x3  }
0x36: {  	p1 =	seq.s32 s10, $0x1;
	s10 =	sld [smem:$0x3FB8];
	_ =	sdelay $0x3  }
0x37: {  	[smem:$0x3FB8] =	sst s10  }
0x38: {  	s10 =	sld [smem:$0x3FB9]  }
0x39: {  	_ = 	snop;
	(pc) =	sbr.ind lr, $3  }
0x3a: {  	_ = 	snop  }
0x3b: {  	_ = 	snop  }
0x3c: {  	p2 =	seq.s32 s10, $0x1;
	s10 =	sld [smem:$0x3FB8]  }
0x3d: {  	_ =	shalt  }
0x3e: {  	_ =	shalt  }
0x3f: {  	_ =	shalt  }
0x40: {  	_ =	shalt  }
0x41: {  	_ =	shalt  }
0x42: {  	_ =	shalt  }
0x43: {  	_ =	shalt  }
0x44: {  	_ =	shalt  }
0x45: {  	_ =	shalt  }
0x46: {  	_ =	shalt  }
0x47: {  	_ =	shalt  }
0x48: {  	_ =	shalt  }
0x49: {  	_ =	shalt  }
0x4a: {  	_ =	shalt  }
0x4b: {  	_ =	shalt  }
0x4c: {  	_ =	shalt  }
0x4d: {  	_ =	shalt  }
0x4e: {  	_ =	shalt  }
0x4f: {  	_ =	shalt  }
0x50: {  	_ =	shalt  }
0x51: {  	_ =	shalt  }
0x52: {  	_ =	shalt  }
0x53: {  	_ =	shalt  }
0x54: {  	_ =	shalt  }
0x55: {  	_ =	shalt  }
0x56: {  	_ =	shalt  }
0x57: {  	_ =	shalt  }
0x58: {  	_ =	shalt  }
0x59: {  	_ =	shalt  }
0x5a: {  	_ =	shalt  }
0x5b: {  	_ =	shalt  }
0x5c: {  	_ =	shalt  }
0x5d: {  	_ =	shalt  }
0x5e: {  	_ =	shalt  }
0x5f: {  	_ =	shalt  }
0x60: {  	_ =	shalt  }
0x61: {  	_ =	shalt  }
0x62: {  	_ =	shalt  }
0x63: {  	_ =	shalt  }
0x64: {  	_ =	shalt  }
0x65: {  	_ =	shalt  }
0x66: {  	_ =	shalt  }
0x67: {  	_ =	shalt  }
0x68: {  	_ =	shalt  }
0x69: {  	_ =	shalt  }
0x6a: {  	_ =	shalt  }
0x6b: {  	_ =	shalt  }
0x6c: {  	_ =	shalt  }
0x6d: {  	_ =	shalt  }
0x6e: {  	_ =	shalt  }
0x6f: {  	_ =	shalt  }
0x70: {  	_ =	shalt  }
0x71: {  	_ =	shalt  }
0x72: {  	_ =	shalt  }
0x73: {  	_ =	shalt  }
0x74: {  	_ =	shalt  }
0x75: {  	_ =	shalt  }
0x76: {  	_ =	shalt  }
0x77: {  	_ =	shalt  }
0x78: {  	_ =	shalt  }
0x79: {  	_ =	shalt  }
0x7a: {  	_ =	shalt  }
0x7b: {  	_ =	shalt  }
0x7c: {  	_ =	shalt  }
0x7d: {  	_ =	shalt  }
0x7e: {  	_ =	shalt  }
0x7f: {  	_ =	shalt  }
0x80: {  	_ =	shalt  }
0x81: {  	_ =	shalt  }
0x82: {  	_ =	shalt  }
0x83: {  	_ =	shalt  }
0x84: {  	_ =	shalt  }
0x85: {  	_ =	shalt  }
0x86: {  	_ =	shalt  }
0x87: {  	_ =	shalt  }
.Lfunc_end0:
.L_simem_size_0:
called_computation_lowered:
.L_overlay_start_0:
0x88: {  	s2 =	sld [smem:$0x3FD9]  }
0x89: {  	s3 =	sld [smem:$0x3FFE];
	_ =	sdelay $0x1  }
0x8a: {  	s1 =	srdreg.scid  }
0x8b: {  	s0 =	sand.u32 $0x1, s1  }
0x8c: {  	s17 =	sshll.u32 s0, $0xA;
	s2 =	sadd.s32 s3, s2  }
0x8d: {  	s2 =	sadd.s32 s2, s17  }
0x8e: {  	[smem:$0x3FC4] =	sst s2  }
0x8f: {  	_ = 	snop  }
0x90: {  	s2 =	sld [smem:$0x3FC6]  }
0x91: {  	s18 =	sld [smem:$0x3FD0];
	(tm) =	ssettm $0x1  }
0x92: {  	s4 =	sld [smem:$0x3FFB];
	_ =	sdelay $0x3  }
0x93: {  	_ =	strace s4  }
0x94: {  	s4 =	sld [smem:$0x3FFC];
	_ =	sdelay $0x3  }
0x95: {  	_ =	strace s4  }
0x96: {  	s4 =	sld [smem:$0x3FFD];
	_ =	sdelay $0x3  }
0x97: {  	_ =	strace s4  }
0x98: {  	_ =	strace $0x8FFFFFFF  }
0x99: {  	s19 =	sld [smem:$0x3FDB];
	_ =	sdelay $0x1  }
0x9a: {  	s5 =	simm.s32 $_scs_section_size  }
0x9b: {  	s6 =	simm.s32 $_size__tile_overlayer_lowered;
	s7 =	simm.s32 $_tile_overlayer_lowered  }
0x9c: {  	s22 =	simm.s32 $0x1BFF;
	s21 =	sshll.u32 s7, $0x1;
	s4 =	sadd.s32 s5, s19  }
0x9d: {  	s8 =	simm.s32 $0x0;
	s20 =	sshll.u32 s6, $0x1;
	s6 =	sadd.s32 s21, s4  }
0x9e: {  	[timem:s8], [sflag:s22] =	dma.local [hbm:s6], s20  }
0x9f: {  	_ =	swait.ge [sflag:s22], s20  }
0xa0: {  	s5 =	ssub.s32 $0x0, s20;
	[sflag:s22] =	ssyncset.done $0x0  }
0xa1: {  	[sflag:s22] =	ssyncadd.s32 s5;
	_ =	sdelay $0x1  }
0xa2: {  	s23 =	simm.s32 $0x1B8B  }
0xa3: {  	_ =	swait.ge [sflag:s23], $0x1  }
0xa4: {  	[sflag:s23] =	ssyncset.done $0x0  }
0xa5: {  	s25 =	simm.s32 $0x1B8E;
	s24 =	sld [smem:$0x3FFE];
	[sflag:s23] =	ssyncadd.s32 $0xFFFFFFFF  }
0xa6: {  	s26 =	simm.s32 $execute0_lowered;
	[smem:$0x3FD2] =	sst s25  }
0xa7: {  	s6 =	sshll.u32 s26, $0x1;
	_ =	strace $0x80000046;
	[dreg:$0x1] =	wrdreg $0xFFFFFFFF  }
0xa8: {  	s28 =	simm.s32 $_size_execute0_lowered;
	s4 =	sadd.s32 s4, s6;
	[dreg:$0x0] =	wrdreg $0x0  }
0xa9: {  	s6 =	sshll.u32 s28, $0x1;
	[dreg:$0x2] =	wrdreg s4  }
0xaa: {  	[dreg:$0x3] =	wrdreg s6  }
0xab: {  	[dreg:$0x4] =	wrdreg $0xC0  }
0xac: {  	_ =	task [dreg:s8], $0x5FFFF  }
0xad: {  	[dreg:$0x1] =	wrdreg $0xFFFFFFFF  }
0xae: {  	[dreg:$0x0] =	wrdreg $0x60  }
0xaf: {  	[dreg:$0x2] =	wrdreg s24  }
0xb0: {  	[dreg:$0x3] =	wrdreg s2  }
0xb1: {  	[dreg:$0x4] =	wrdreg s18  }
0xb2: {  	[dreg:$0x5] =	wrdreg $0x9  }
0xb3: {  	_ =	task.clear_ibuf [dreg:s8], $0x6FFFF;
	_ =	strace $0x90000046  }
0xb4: {  	s29 =	simm.s32 $0x9;
	_ =	strace $0x80000048  }
0xb5: {  	_ =	swait.ge [sflag:s29], $0x1  }
0xb6: {  	[sflag:s29] =	ssyncadd.s32 $0xFFFFFFFF  }
0xb7: {  	_ =	strace $0x90000048  }
0xb8: {  	_ =	sfence  }
0xb9: {  	s30 =	sld [smem:$0x0];
	_ =	sdelay $0x2  }
0xba: {  	s31 =	sshll.u32 s1, $0xD;
	s1 =	sshrl.u32 s1, $0x2  }
0xbb: {  	s3 =	sand.u32 $0x4000, s31;
	s1 =	sadd.s32 s1, s30  }
0xbc: {  	s0 =	sor.u32 s3, s0;
	s1 =	sshll.u32 s1, $0x11  }
0xbd: {  	s0 =	sor.u32 s1, s0  }
0xbe: {  	s0 =	sadd.s32 $0x8F2B, s0  }
0xbf: {  	[sflag:s0] =	ssyncadd.remote.s32 $0x1  }
0xc0: {  	_ =	sfence.sel $0xFFFF  }
0xc1: {  	[dreg:$0x0] =	wrdreg $0xFFFFFFFF;
	(pc) =	sbr.abs _section_cstart, $3  }
0xc2: {  	[dreg:$0x1] =	wrdreg $0xFFFFFFFF  }
0xc3: {  	_ =	task.clear_ibuf [dreg:s8], $0x2FFFF;
	_ =	strace $0x9FFFFFFF  }
0xc4: {  	(tm) =	ssettm $0x7FFFFFFF  }
0xc5: {  	_ =	shalt  }
tec
execute0_lowered:
.L_overlay_start_1:
0x0: {  	(tag) =	ssettag $0x1  }
0x1: {  	s0 =	rddreg [dreg:$0x0];
	s1 =	srdreg.scid  }
0x2: {  	s3 =	stileid.u32;
	s2 =	rddreg [dreg:$0x2];
	s7 =	simm.s32 $0x0  }
0x3: {  	s13 =	simm.s32 $0x80;
	s1 =	sand.u32 $0x1, s1;
	s3 =	sshll.u32 s3, $0x1  }
0x4: {  	s21 =	simm.s32 $0x18180;
	[smem:$0x7FF] =	sst s7;
	s3 =	sor.u32 s1, s3  }
0x5: {  	s5 =	sadd.s32 $0x20200, s0;
	s1 =	ssub.s32 $0x2, s1;
	s4 =	sshll.u32 s3, $0xB  }
0x6: {  	s28 =	sshrl.u32 s1, $0x1;
	s30 =	sshll.u32 s3, $0x6;
	s6 =	sadd.s32 s4, s0  }
0x7: {  	s4 =	sadd.s32 $0xF62600, s0;
	s0 =	ssub.s32 s1, s28;
	s1 =	sadd.s32 s2, s30  }
0x8: {  	_ =	strace $0x80000047;
	s29 =	sadd.s32 $0x10200, s6;
	[dreg:$0x6] =	wrdreg s1  }
0x9: {  	s22 =	simm.s32 $0x1;
	s31 =	sadd.s32 $0x200, s6;
	[dreg:$0x4] =	wrdreg s29  }
0xa: {  	s23 =	simm.s32 $0x18200;
	s0 =	smax.u32 s0, $0x1;
	[dreg:$0x5] =	wrdreg s31  }
0xb: {  	vm0 =	vmmov $0x1;
	vm1 =	vmmov $0x3ff;
	s2 =	simm.s32 $0x0;
	s1 =	simm.s32 $0x2;
	[dreg:$0x7] =	wrdreg s0  }
.LBB2_1:
0xc: {  	[dreg:$0x8] =	wrdreg s2  }
0xd: {  	s0 =	rddreg [dreg:$0x4]  }
0xe: {  	[tilespmem:s7], [sflag:$0x2] =	stream.linear.gather [hbm4b:s0+s7], $0x4000, $0x38;
	[tilespmem:$0x18480] =	vst v63  }
0xf: {  	_ =	swait.ge [sflag:s1], $0x4000  }
0x10: {  	[sflag:s1] =	ssyncset.done $0x0  }
0x11: {  	s29 =	simm.s32 $0x4000;
	s28 =	rddreg [dreg:$0x5];
	[sflag:s1] =	ssyncadd.s32 $0xFFFFC000  }
0x12: {  	[tilespmem:s29], [sflag:$0x2] =	stream.linear.gather [hbm4b:s28+s7], $0x4000, $0x38;
	[tilespmem:$0x18480] =	vst v63  }
0x13: {  	_ =	swait.ge [sflag:s1], $0x4000  }
0x14: {  	[sflag:s1] =	ssyncset.done $0x0  }
0x15: {  	[sflag:s1] =	ssyncadd.s32 $0xFFFFC000  }
0x16: {  	s31 =	simm.s32 $0x18400;
	s30 =	rddreg [dreg:$0x1]  }
0x17: {  	[tilespmem:s31], [sflag:$0x2] =	stream.linear.gather [hbm4b:s30+s7], $0x1, $0x38;
	[tilespmem:$0x18480] =	vst v63  }
0x18: {  	_ =	swait.ge [sflag:s1], $0x1  }
0x19: {  	[sflag:s1] =	ssyncset.done $0x0  }
0x1a: {  	[sflag:s1] =	ssyncadd.s32 $0xFFFFFFFF  }
0x1b: {  	v0 =	vld [tilespmem:$0x18400];
	_ =	sdelay $0x4  }
0x1c: {  	s2 =	simm.s32 $0x0;
	s26 =	simm.s32 $0x0;
	v0 =	vnsel vm0, $0x0, v0  }
.LBB2_2:
0x1d: {  	s0 =	sshll.u32 s26, $0x9;
	s1 =	simm.s32 $0x8000  }
0x1e: {  	[tilespmem:s1], [sflag:$0x1] =	stream.indirect.gather [hbm4b:s4+s13], $0x80, s0, s13, $0xb8;
	[tilespmem:$0x18480] =	vst v63  }
0x1f: {  	s17 =	simm.s32 $0x18000;
	s28 =	sadd.s32 $0x4000, s0  }
0x20: {  	[tilespmem:s17], [sflag:$0x1] =	stream.indirect.gather [hbm4b:s5+s13], $0x1, s28, s13, $0xb8;
	[tilespmem:$0x18480] =	vst v63  }
0x21: {  	s3 =	simm.s32 $0xC000;
	s18 =	sor.u32 $0x80, s0  }
0x22: {  	[tilespmem:s3], [sflag:$0x1] =	stream.indirect.gather [hbm4b:s4+s13], $0x80, s18, s13, $0xb8;
	[tilespmem:$0x18480] =	vst v63  }
0x23: {  	s20 =	simm.s32 $0x18080;
	s19 =	sadd.s32 $0x4080, s0  }
0x24: {  	[tilespmem:s20], [sflag:$0x1] =	stream.indirect.gather [hbm4b:s5+s13], $0x1, s19, s13, $0xb8;
	[tilespmem:$0x18480] =	vst v63  }
0x25: {  	s25 =	simm.s32 $0x10000;
	s24 =	sor.u32 $0x100, s0  }
0x26: {  	[tilespmem:s25], [sflag:$0x1] =	stream.indirect.gather [hbm4b:s4+s13], $0x80, s24, s13, $0xb8;
	[tilespmem:$0x18480] =	vst v63  }
0x27: {  	s7 =	simm.s32 $0x18100;
	s6 =	sadd.s32 $0x4100, s0  }
0x28: {  	[tilespmem:s7], [sflag:$0x1] =	stream.indirect.gather [hbm4b:s5+s13], $0x1, s6, s13, $0xb8;
	[tilespmem:$0x18480] =	vst v63  }
0x29: {  	s9 =	simm.s32 $0x14000;
	s8 =	sor.u32 $0x180, s0  }
0x2a: {  	[tilespmem:s9], [sflag:$0x1] =	stream.indirect.gather [hbm4b:s4+s13], $0x80, s8, s13, $0xb8;
	[tilespmem:$0x18480] =	vst v63  }
0x2b: {  	s0 =	sadd.s32 $0x4180, s0  }
0x2c: {  	[tilespmem:s21], [sflag:$0x1] =	stream.indirect.gather [hbm4b:s5+s13], $0x1, s0, s13, $0xb8;
	[tilespmem:$0x18480] =	vst v63  }
0x2d: {  	_ =	swait.ge [sflag:s22], $0x4000  }
0x2e: {  	[sflag:s22] =	ssyncset.done $0x0  }
0x2f: {  	[sflag:s22] =	ssyncadd.s32 $0xFFFFC000  }
0x30: {  	_ =	swait.ge [sflag:s22], $0x80  }
0x31: {  	[sflag:s22] =	ssyncset.done $0x0  }
0x32: {  	[sflag:s22] =	ssyncadd.s32 $0xFFFFFF80  }
0x33: {  	_ =	swait.ge [sflag:s22], $0x4000  }
0x34: {  	[sflag:s22] =	ssyncset.done $0x0  }
0x35: {  	[sflag:s22] =	ssyncadd.s32 $0xFFFFC000  }
0x36: {  	_ =	swait.ge [sflag:s22], $0x80  }
0x37: {  	[sflag:s22] =	ssyncset.done $0x0  }
0x38: {  	[sflag:s22] =	ssyncadd.s32 $0xFFFFFF80  }
0x39: {  	_ =	swait.ge [sflag:s22], $0x4000  }
0x3a: {  	[sflag:s22] =	ssyncset.done $0x0  }
0x3b: {  	[sflag:s22] =	ssyncadd.s32 $0xFFFFC000  }
0x3c: {  	_ =	swait.ge [sflag:s22], $0x80  }
0x3d: {  	[sflag:s22] =	ssyncset.done $0x0  }
0x3e: {  	[sflag:s22] =	ssyncadd.s32 $0xFFFFFF80  }
0x3f: {  	_ =	swait.ge [sflag:s22], $0x4000  }
0x40: {  	[sflag:s22] =	ssyncset.done $0x0  }
0x41: {  	s10 =	simm.s32 $0x0;
	[sflag:s22] =	ssyncadd.s32 $0xFFFFC000  }
0x42: {  	s11 =	sand.u32 $0x180, s10;
	_ =	swait.ge [sflag:s22], $0x80  }
0x43: {  	s1 =	sadd.s32 s11, s28;
	s0 =	sand.u32 $0x60, s10;
	[sflag:s22] =	ssyncset.done $0x0  }
0x44: {  	s0 =	sadd.s32 s0, s1;
	[sflag:s22] =	ssyncadd.s32 $0xFFFFFF80  }
0x45: {  	v1 =	vld [tilespmem:s0+$0x0];
	_ =	sdelay $0x4  }
0x46: {  	v1 =	vshll.u32 v1, $0x5  }
0x47: {  	s12 =	simm.s32 $0x0;
	v1 =	vand.u32 $0x60, v1  }
0x48: {  	v1 =	vadd.s32 s12, v1  }
0x49: {  	(v2sf) =	vpush v1, $0x2  }
0x4a: {  	(v2sf) =	vpush v1, $0x0;
	_ =	sdelay $0x1  }
0x4b: {  	(v2sf) =	vpush v1, $0x1  }
0x4c: {  	(v2sf) =	vpush v1, $0x3  }
0x4d: {  	(v2sf) =	vpush v1, $0x4  }
0x4e: {  	(v2sf) =	vpush v1, $0x5  }
0x4f: {  	(v2sf) =	vpush v1, $0x6  }
0x50: {  	(v2sf) =	vpush v1, $0x7  }
0x51: {  	v2 =	vld [tilespmem:s0+$0x10];
	(v2sf) =	vpush v1, $0x8  }
0x52: {  	(v2sf) =	vpush v1, $0x9  }
0x53: {  	(v2sf) =	vpush v1, $0xA  }
0x54: {  	(v2sf) =	vpush v1, $0xB  }
0x55: {  	(v2sf) =	vpush v1, $0xC  }
0x56: {  	v2 =	vshll.u32 v2, $0x5;
	(v2sf) =	vpush v1, $0xD  }
0x57: {  	v2 =	vand.u32 $0x60, v2;
	(v2sf) =	vpush v1, $0xE;
	s14 =	spop (v2sf)  }
0x58: {  	v2 =	vadd.s32 s12, v2;
	(v2sf) =	vpush v1, $0xF;
	s15 =	spop (v2sf)  }
0x59: {  	(v2sf) =	vpush v2, $0x1;
	v1 =	vld [tilespmem:s15+$0x8000]  }
0x5a: {  	s16 =	spop (v2sf);
	(v2sf) =	vpush v2, $0x2;
	v4 =	vld [tilespmem:s15+$0x8010]  }
0x5b: {  	v3 =	vld [tilespmem:s16+$0x8080];
	(v2sf) =	vpush v2, $0x3  }
0x5c: {  	v5 =	vld [tilespmem:s14+$0x8100];
	(v2sf) =	vpush v2, $0x4  }
0x5d: {  	v6 =	vld [tilespmem:s16+$0x8090];
	(v2sf) =	vpush v2, $0x5  }
0x5e: {  	v10 =	vld [tilespmem:s14+$0x8110];
	s17 =	spop (v2sf);
	(v2sf) =	vpush v2, $0x6  }
0x5f: {  	v8 =	vld [tilespmem:s17+$0x8180];
	v7 =	vadd.f32 $0.0e+00, v1;
	(v2sf) =	vpush v2, $0x7;
	v1 =	vmul.f32 v1, v1  }
0x60: {  	s18 =	spop (v2sf);
	v58 =	vld [tilespmem:s17+$0x8190];
	v11 =	vadd.f32 $0.0e+00, v4;
	v9 =	vmul.f32 v3, v3;
	(v2sf) =	vpush v2, $0x8  }
0x61: {  	v12 =	vld [tilespmem:s18+$0x8200];
	s19 =	spop (v2sf);
	v57 =	vmul.f32 v5, v5;
	v3 =	vadd.f32 v3, v7;
	(v2sf) =	vpush v2, $0x9  }
0x62: {  	v13 =	vld [tilespmem:s19+$0x8280];
	v4 =	vmul.f32 v4, v4;
	v11 =	vadd.f32 v6, v11;
	v1 =	vadd.f32 v9, v1  }
0x63: {  	v6 =	vmul.f32 v6, v6;
	(v2sf) =	vpush v2, $0x0;
	v3 =	vadd.f32 v5, v3;
	v5 =	vld [tilespmem:s18+$0x8210]  }
0x64: {  	s20 =	spop (v2sf);
	v61 =	vld [tilespmem:s19+$0x8290];
	v59 =	vmul.f32 v8, v8;
	v2 =	vadd.f32 v10, v11;
	v1 =	vadd.f32 v57, v1  }
0x65: {  	v60 =	vld [tilespmem:s20+$0x8300];
	v10 =	vmul.f32 v10, v10;
	v4 =	vadd.f32 v6, v4;
	v3 =	vadd.f32 v8, v3  }
0x66: {  	s24 =	spop (v2sf);
	v16 =	vld [tilespmem:s20+$0x8310];
	v62 =	vmul.f32 v12, v12;
	v2 =	vadd.f32 v58, v2;
	v1 =	vadd.f32 v59, v1  }
0x67: {  	v63 =	vld [tilespmem:s24+$0x8380];
	s25 =	spop (v2sf);
	v9 =	vmul.f32 v58, v58;
	v4 =	vadd.f32 v10, v4;
	v3 =	vadd.f32 v12, v3  }
0x68: {  	v19 =	vld [tilespmem:s24+$0x8390];
	s7 =	spop (v2sf);
	v17 =	vmul.f32 v13, v13;
	v1 =	vadd.f32 v62, v1;
	v2 =	vadd.f32 v5, v2  }
0x69: {  	v18 =	vld [tilespmem:s25+$0x8400];
	s6 =	spop (v2sf);
	v4 =	vadd.f32 v9, v4;
	v5 =	vmul.f32 v5, v5;
	v3 =	vadd.f32 v13, v3  }
0x6a: {  	v21 =	vld [tilespmem:s7+$0x8480];
	s8 =	spop (v2sf);
	v20 =	vmul.f32 v60, v60;
	v1 =	vadd.f32 v17, v1;
	v2 =	vadd.f32 v61, v2  }
0x6b: {  	v6 =	vmul.f32 v61, v61;
	s12 =	spop (v2sf);
	v4 =	vadd.f32 v5, v4;
	v5 =	vld [tilespmem:s25+$0x8410];
	v3 =	vadd.f32 v60, v3  }
0x6c: {  	v24 =	vld [tilespmem:s7+$0x8490];
	s16 =	spop (v2sf);
	v22 =	vmul.f32 v63, v63;
	v1 =	vadd.f32 v20, v1;
	v2 =	vadd.f32 v16, v2  }
0x6d: {  	v23 =	vld [tilespmem:s6+$0x8500];
	v10 =	vmul.f32 v16, v16;
	s14 =	spop (v2sf);
	v4 =	vadd.f32 v6, v4;
	v3 =	vadd.f32 v63, v3  }
0x6e: {  	v27 =	vld [tilespmem:s6+$0x8510];
	v25 =	vmul.f32 v18, v18;
	s15 =	spop (v2sf);
	v1 =	vadd.f32 v22, v1;
	v2 =	vadd.f32 v19, v2  }
0x6f: {  	v26 =	vld [tilespmem:s8+$0x8580];
	v9 =	vmul.f32 v19, v19;
	s11 =	spop (v2sf);
	v4 =	vadd.f32 v10, v4;
	v3 =	vadd.f32 v18, v3  }
0x70: {  	v30 =	vld [tilespmem:s8+$0x8590];
	v28 =	vmul.f32 v21, v21;
	s10 =	spop (v2sf);
	v1 =	vadd.f32 v25, v1;
	v2 =	vadd.f32 v5, v2  }
0x71: {  	v29 =	vld [tilespmem:s12+$0x8600];
	s9 =	spop (v2sf);
	v5 =	vmul.f32 v5, v5;
	v4 =	vadd.f32 v9, v4;
	v3 =	vadd.f32 v21, v3  }
0x72: {  	v32 =	vld [tilespmem:s16+$0x8680];
	v31 =	vmul.f32 v23, v23;
	s8 =	spop (v2sf);
	v1 =	vadd.f32 v28, v1;
	v2 =	vadd.f32 v24, v2  }
0x73: {  	s7 =	spop (v2sf);
	v6 =	vmul.f32 v24, v24;
	v4 =	vadd.f32 v5, v4;
	v5 =	vld [tilespmem:s12+$0x8610];
	v3 =	vadd.f32 v23, v3  }
0x74: {  	v35 =	vld [tilespmem:s16+$0x8690];
	v33 =	vmul.f32 v26, v26;
	s17 =	spop (v2sf);
	v1 =	vadd.f32 v31, v1;
	v2 =	vadd.f32 v27, v2  }
0x75: {  	v34 =	vld [tilespmem:s14+$0x8700];
	s18 =	spop (v2sf);
	v10 =	vmul.f32 v27, v27;
	v4 =	vadd.f32 v6, v4;
	v3 =	vadd.f32 v26, v3  }
0x76: {  	v37 =	vld [tilespmem:s14+$0x8710];
	v36 =	vmul.f32 v29, v29;
	s19 =	spop (v2sf);
	v1 =	vadd.f32 v33, v1;
	v2 =	vadd.f32 v30, v2  }
0x77: {  	v38 =	vld [tilespmem:s15+$0x8780];
	s20 =	spop (v2sf);
	v9 =	vmul.f32 v30, v30;
	v4 =	vadd.f32 v10, v4;
	v3 =	vadd.f32 v29, v3  }
0x78: {  	v39 =	vld [tilespmem:s15+$0x8790];
	v40 =	vmul.f32 v32, v32;
	s24 =	spop (v2sf);
	v1 =	vadd.f32 v36, v1;
	v2 =	vadd.f32 v5, v2  }
0x79: {  	v41 =	vld [tilespmem:s24+$0x8800];
	v5 =	vmul.f32 v5, v5;
	v4 =	vadd.f32 v9, v4;
	v3 =	vadd.f32 v32, v3  }
0x7a: {  	v44 =	vld [tilespmem:s11+$0x8880];
	v43 =	vmul.f32 v34, v34;
	v1 =	vadd.f32 v40, v1;
	v2 =	vadd.f32 v35, v2  }
0x7b: {  	v42 =	vld [tilespmem:s24+$0x8810];
	v6 =	vmul.f32 v35, v35;
	v4 =	vadd.f32 v5, v4;
	v3 =	vadd.f32 v34, v3  }
0x7c: {  	v46 =	vld [tilespmem:s11+$0x8890];
	v5 =	vmul.f32 v38, v38;
	v1 =	vadd.f32 v43, v1;
	v2 =	vadd.f32 v37, v2  }
0x7d: {  	v45 =	vld [tilespmem:s10+$0x8900];
	v8 =	vmul.f32 v37, v37;
	v4 =	vadd.f32 v6, v4;
	v3 =	vadd.f32 v38, v3  }
0x7e: {  	v48 =	vld [tilespmem:s10+$0x8910];
	v1 =	vadd.f32 v5, v1;
	v5 =	vmul.f32 v41, v41;
	v2 =	vadd.f32 v39, v2  }
0x7f: {  	v47 =	vld [tilespmem:s9+$0x8980];
	v10 =	vmul.f32 v39, v39;
	v4 =	vadd.f32 v8, v4;
	v3 =	vadd.f32 v41, v3  }
0x80: {  	v50 =	vld [tilespmem:s9+$0x8990];
	v1 =	vadd.f32 v5, v1;
	v5 =	vmul.f32 v44, v44;
	v2 =	vadd.f32 v42, v2  }
0x81: {  	v49 =	vld [tilespmem:s8+$0x8A00];
	v9 =	vmul.f32 v42, v42;
	v4 =	vadd.f32 v10, v4;
	v3 =	vadd.f32 v44, v3  }
0x82: {  	v52 =	vld [tilespmem:s8+$0x8A10];
	v1 =	vadd.f32 v5, v1;
	v5 =	vmul.f32 v45, v45;
	v2 =	vadd.f32 v46, v2  }
0x83: {  	v51 =	vld [tilespmem:s7+$0x8A80];
	v6 =	vmul.f32 v46, v46;
	v4 =	vadd.f32 v9, v4;
	v3 =	vadd.f32 v45, v3  }
0x84: {  	v54 =	vld [tilespmem:s7+$0x8A90];
	v1 =	vadd.f32 v5, v1;
	v5 =	vmul.f32 v47, v47;
	v2 =	vadd.f32 v48, v2  }
0x85: {  	v53 =	vld [tilespmem:s17+$0x8B00];
	v8 =	vmul.f32 v48, v48;
	v4 =	vadd.f32 v6, v4;
	v3 =	vadd.f32 v47, v3  }
0x86: {  	v56 =	vld [tilespmem:s17+$0x8B10];
	v1 =	vadd.f32 v5, v1;
	v5 =	vmul.f32 v49, v49;
	v2 =	vadd.f32 v50, v2  }
0x87: {  	v55 =	vld [tilespmem:s18+$0x8B80];
	v10 =	vmul.f32 v50, v50;
	v4 =	vadd.f32 v8, v4;
	v3 =	vadd.f32 v49, v3  }
0x88: {  	v58 =	vld [tilespmem:s18+$0x8B90];
	v1 =	vadd.f32 v5, v1;
	v5 =	vmul.f32 v51, v51;
	v2 =	vadd.f32 v52, v2  }
0x89: {  	v57 =	vld [tilespmem:s19+$0x8C00];
	v7 =	vmul.f32 v52, v52;
	v4 =	vadd.f32 v10, v4;
	v3 =	vadd.f32 v51, v3  }
0x8a: {  	v60 =	vld [tilespmem:s19+$0x8C10];
	v1 =	vadd.f32 v5, v1;
	v5 =	vmul.f32 v53, v53;
	v2 =	vadd.f32 v54, v2  }
0x8b: {  	v59 =	vld [tilespmem:s20+$0x8C80];
	v6 =	vmul.f32 v54, v54;
	v4 =	vadd.f32 v7, v4;
	v3 =	vadd.f32 v53, v3  }
0x8c: {  	v1 =	vadd.f32 v5, v1;
	v5 =	vmul.f32 v55, v55;
	v2 =	vadd.f32 v56, v2  }
0x8d: {  	v61 =	vld [tilespmem:s20+$0x8C90];
	v8 =	vmul.f32 v56, v56;
	v4 =	vadd.f32 v6, v4;
	v3 =	vadd.f32 v55, v3  }
0x8e: {  	v1 =	vadd.f32 v5, v1;
	v5 =	vmul.f32 v57, v57;
	v2 =	vadd.f32 v58, v2  }
0x8f: {  	v62 =	vmul.f32 v58, v58;
	v4 =	vadd.f32 v8, v4;
	v3 =	vadd.f32 v57, v3  }
0x90: {  	v1 =	vadd.f32 v5, v1;
	v2 =	vadd.f32 v60, v2;
	v5 =	vmul.f32 v59, v59  }
0x91: {  	v7 =	vmul.f32 v60, v60;
	v4 =	vadd.f32 v62, v4;
	v3 =	vadd.f32 v59, v3  }
0x92: {  	s31 =	simm.s32 $0x4000;
	v63 =	vadd.f32 v61, v2;
	v1 =	vadd.f32 v5, v1  }
0x93: {  	s30 =	simm.s32 $0x18030;
	s29 =	smov.u32 s2;
	s25 =	simm.s32 $0x20;
	v4 =	vadd.f32 v7, v4;
	v5 =	vmul.f32 v61, v61;
	v2 =	vmul.f32 v3, v3  }
0x94: {  	s0 =	simm.s32 $0x18010;
	s11 =	simm.s32 $0x8000;
	s1 =	sand.u32 $0x60, s25  }
0x95: {  	s3 =	sand.u32 $0x180, s25;
	s25 =	smov.u32 s2;
	s12 =	simm.s32 $0x40;
	v3 =	vmul.f32 v63, v63;
	v2 =	vsub.f32 v2, v1;
	v1 =	vadd.f32 v5, v4  }
.LBB2_3:
0x96: {  	s6 =	sand.u32 $0x60, s12  }
0x97: {  	s3 =	sadd.s32 s3, s28;
	v2 =	vadd.f32 v3, v2;
	s29 =	sadd.s32 $0x1, s29;
	s7 =	smov.u32 s11  }
0x98: {  	p0 =	sne.s32 s11, $0x3C000;
	s11 =	sadd.s32 $0x4000, s11;
	s3 =	sadd.s32 s1, s3;
	v3 =	vld [tilespmem:s0+$0xFFFFFFF0]  }
0x99: {  	s1 =	smov.u32 s6;
	v4 =	vld [tilespmem:s0+$0x0];
	v1 =	vsub.f32 v2, v1;
	s0 =	smov.u32 s30;
	_ =	sdelay $0x1  }
0x9a: {  	v1 =	vmul.f32 $5.000000000e-01, v1;
	_ =	sdelay $0x1  }
0x9b: {  	v1 =	vadd.f32 v1, v3  }
0x9c: {  	v2 =	vnsel vm1, $0x0, v4  }
0x9d: {  	v1 =	vadd.f32 v1, v2;
	_ =	sdelay $0x1  }
0x9e: {  	v1 =	vadd.f32 v1, v0;
	_ =	sdelay $0x1  }
0x9f: {  	(xrf2) =	vadd.scan.msk.f32 $0xffff, v1;
	_ =	sdelay $0x7  }
0xa0: {  	v1 =	vmov s25;
	s25 =	smov.u32 s29;
	_ =	sdelay $0x1  }
0xa1: {  	v2, _, _ =	vpop (xrf2)  }
0xa2: {  	v2 =	vbroadcast v2, $0xF;
	_ =	sdelay $0x1  }
0xa3: {  	[tilespmem:v1+s23+$0x0] =	vst.idx.msk $0x1, v2  }
0xa4: {  	v1 =	vld [tilespmem:s3+$0x0];
	_ =	sdelay $0x4  }
0xa5: {  	v1 =	vshll.u32 v1, $0x5  }
0xa6: {  	s6 =	sshra.s32 s31, $0x2;
	s31 =	smov.u32 s7;
	v1 =	vand.u32 $0x60, v1  }
0xa7: {  	v1 =	vadd.s32 s6, v1  }
0xa8: {  	(v2sf) =	vpush v1, $0x2  }
0xa9: {  	(v2sf) =	vpush v1, $0x0  }
0xaa: {  	(v2sf) =	vpush v1, $0x1  }
0xab: {  	(v2sf) =	vpush v1, $0x3  }
0xac: {  	(v2sf) =	vpush v1, $0x4  }
0xad: {  	(v2sf) =	vpush v1, $0x5  }
0xae: {  	(v2sf) =	vpush v1, $0x6  }
0xaf: {  	(v2sf) =	vpush v1, $0x7  }
0xb0: {  	v2 =	vld [tilespmem:s3+$0x10];
	(v2sf) =	vpush v1, $0x8  }
0xb1: {  	(v2sf) =	vpush v1, $0x9  }
0xb2: {  	(v2sf) =	vpush v1, $0xA  }
0xb3: {  	(v2sf) =	vpush v1, $0xB  }
0xb4: {  	(v2sf) =	vpush v1, $0xC  }
0xb5: {  	v2 =	vshll.u32 v2, $0x5;
	(v2sf) =	vpush v1, $0xD  }
0xb6: {  	v2 =	vand.u32 $0x60, v2;
	(v2sf) =	vpush v1, $0xE  }
0xb7: {  	v2 =	vadd.s32 s6, v2;
	s3 =	spop (v2sf);
	(v2sf) =	vpush v1, $0xF  }
0xb8: {  	s6 =	spop (v2sf);
	(v2sf) =	vpush v2, $0x1  }
0xb9: {  	v1 =	vld [tilespmem:s6+$0x8000];
	s7 =	spop (v2sf);
	(v2sf) =	vpush v2, $0x2  }
0xba: {  	v3 =	vld [tilespmem:s7+$0x8080];
	s9 =	spop (v2sf);
	(v2sf) =	vpush v2, $0x3  }
0xbb: {  	v4 =	vld [tilespmem:s6+$0x8010];
	s10 =	spop (v2sf);
	(v2sf) =	vpush v2, $0x4  }
0xbc: {  	v5 =	vld [tilespmem:s3+$0x8100];
	s14 =	spop (v2sf);
	(v2sf) =	vpush v2, $0x5  }
0xbd: {  	v6 =	vld [tilespmem:s7+$0x8090];
	s15 =	spop (v2sf);
	(v2sf) =	vpush v2, $0x6  }
0xbe: {  	v7 =	vadd.f32 $0.0e+00, v1;
	v8 =	vld [tilespmem:s9+$0x8180];
	s8 =	spop (v2sf);
	(v2sf) =	vpush v2, $0x7  }
0xbf: {  	v1 =	vmul.f32 v1, v1;
	v9 =	vmul.f32 v3, v3;
	v10 =	vld [tilespmem:s3+$0x8110];
	s3 =	spop (v2sf);
	(v2sf) =	vpush v2, $0x8  }
0xc0: {  	v11 =	vadd.f32 $0.0e+00, v4;
	v4 =	vmul.f32 v4, v4;
	v3 =	vadd.f32 v3, v7;
	v7 =	vld [tilespmem:s10+$0x8200];
	s6 =	spop (v2sf)  }
0xc1: {  	v1 =	vadd.f32 v9, v1;
	v9 =	vmul.f32 v5, v5;
	v12 =	vld [tilespmem:s9+$0x8190];
	s7 =	spop (v2sf);
	(v2sf) =	vpush v2, $0x9  }
0xc2: {  	v11 =	vadd.f32 v6, v11;
	v6 =	vmul.f32 v6, v6;
	v3 =	vadd.f32 v5, v3;
	v5 =	vld [tilespmem:s14+$0x8280];
	s20 =	spop (v2sf)  }
0xc3: {  	v1 =	vadd.f32 v9, v1;
	v9 =	vmul.f32 v8, v8;
	v13 =	vld [tilespmem:s10+$0x8210];
	s19 =	spop (v2sf);
	(v2sf) =	vpush v2, $0x0  }
0xc4: {  	v2 =	vadd.f32 v10, v11;
	v10 =	vmul.f32 v10, v10;
	v3 =	vadd.f32 v8, v3;
	v8 =	vld [tilespmem:s15+$0x8300];
	s18 =	spop (v2sf)  }
0xc5: {  	v4 =	vadd.f32 v6, v4;
	v1 =	vadd.f32 v9, v1;
	v6 =	vmul.f32 v7, v7;
	v9 =	vld [tilespmem:s14+$0x8290];
	s17 =	spop (v2sf)  }
0xc6: {  	v2 =	vadd.f32 v12, v2;
	v11 =	vmul.f32 v12, v12;
	v3 =	vadd.f32 v7, v3;
	v7 =	vld [tilespmem:s8+$0x8380];
	s16 =	spop (v2sf)  }
0xc7: {  	v4 =	vadd.f32 v10, v4;
	v1 =	vadd.f32 v6, v1;
	v6 =	vmul.f32 v5, v5;
	v10 =	vld [tilespmem:s15+$0x8310];
	s15 =	spop (v2sf)  }
0xc8: {  	v2 =	vadd.f32 v13, v2;
	v12 =	vmul.f32 v13, v13;
	v3 =	vadd.f32 v5, v3;
	v5 =	vld [tilespmem:s3+$0x8400];
	s14 =	spop (v2sf)  }
0xc9: {  	v4 =	vadd.f32 v11, v4;
	v1 =	vadd.f32 v6, v1;
	v6 =	vmul.f32 v8, v8;
	v11 =	vld [tilespmem:s8+$0x8390];
	s24 =	spop (v2sf)  }
0xca: {  	v2 =	vadd.f32 v9, v2;
	v9 =	vmul.f32 v9, v9;
	v3 =	vadd.f32 v8, v3;
	v8 =	vld [tilespmem:s6+$0x8480];
	s10 =	spop (v2sf)  }
0xcb: {  	v4 =	vadd.f32 v12, v4;
	v1 =	vadd.f32 v6, v1;
	v6 =	vmul.f32 v7, v7;
	v12 =	vld [tilespmem:s3+$0x8410];
	s3 =	spop (v2sf)  }
0xcc: {  	v2 =	vadd.f32 v10, v2;
	v10 =	vmul.f32 v10, v10;
	v3 =	vadd.f32 v7, v3;
	v7 =	vld [tilespmem:s7+$0x8500];
	s9 =	spop (v2sf)  }
0xcd: {  	v4 =	vadd.f32 v9, v4;
	v1 =	vadd.f32 v6, v1;
	v6 =	vmul.f32 v5, v5;
	v9 =	vld [tilespmem:s6+$0x8490];
	s8 =	spop (v2sf)  }
0xce: {  	v2 =	vadd.f32 v11, v2;
	v11 =	vmul.f32 v11, v11;
	v3 =	vadd.f32 v5, v3;
	v5 =	vld [tilespmem:s20+$0x8580];
	s6 =	spop (v2sf)  }
0xcf: {  	v4 =	vadd.f32 v10, v4;
	v1 =	vadd.f32 v6, v1;
	v6 =	vmul.f32 v8, v8;
	v10 =	vld [tilespmem:s7+$0x8510]  }
0xd0: {  	v2 =	vadd.f32 v12, v2;
	v12 =	vmul.f32 v12, v12;
	v3 =	vadd.f32 v8, v3;
	v8 =	vld [tilespmem:s19+$0x8600];
	s7 =	spop (v2sf)  }
0xd1: {  	v4 =	vadd.f32 v11, v4;
	v1 =	vadd.f32 v6, v1;
	v6 =	vmul.f32 v7, v7;
	v11 =	vld [tilespmem:s20+$0x8590]  }
0xd2: {  	v2 =	vadd.f32 v9, v2;
	v9 =	vmul.f32 v9, v9;
	v3 =	vadd.f32 v7, v3;
	v7 =	vld [tilespmem:s18+$0x8680];
	s20 =	spop (v2sf)  }
0xd3: {  	v4 =	vadd.f32 v12, v4;
	v1 =	vadd.f32 v6, v1;
	v6 =	vmul.f32 v5, v5;
	v12 =	vld [tilespmem:s19+$0x8610]  }
0xd4: {  	v2 =	vadd.f32 v10, v2;
	v10 =	vmul.f32 v10, v10;
	v3 =	vadd.f32 v5, v3;
	v5 =	vld [tilespmem:s17+$0x8700]  }
0xd5: {  	v4 =	vadd.f32 v9, v4;
	v1 =	vadd.f32 v6, v1;
	v6 =	vmul.f32 v8, v8;
	v9 =	vld [tilespmem:s18+$0x8690]  }
0xd6: {  	v2 =	vadd.f32 v11, v2;
	v11 =	vmul.f32 v11, v11;
	v3 =	vadd.f32 v8, v3;
	v8 =	vld [tilespmem:s16+$0x8780]  }
0xd7: {  	v4 =	vadd.f32 v10, v4;
	v1 =	vadd.f32 v6, v1;
	v6 =	vmul.f32 v7, v7;
	v10 =	vld [tilespmem:s17+$0x8710]  }
0xd8: {  	v2 =	vadd.f32 v12, v2;
	v12 =	vmul.f32 v12, v12;
	v3 =	vadd.f32 v7, v3;
	v7 =	vld [tilespmem:s20+$0x8800]  }
0xd9: {  	v4 =	vadd.f32 v11, v4;
	v1 =	vadd.f32 v6, v1;
	v6 =	vmul.f32 v5, v5;
	v11 =	vld [tilespmem:s16+$0x8790]  }
0xda: {  	v2 =	vadd.f32 v9, v2;
	v9 =	vmul.f32 v9, v9;
	v3 =	vadd.f32 v5, v3;
	v5 =	vld [tilespmem:s15+$0x8880]  }
0xdb: {  	v4 =	vadd.f32 v12, v4;
	v1 =	vadd.f32 v6, v1;
	v6 =	vmul.f32 v8, v8;
	v12 =	vld [tilespmem:s20+$0x8810]  }
0xdc: {  	v2 =	vadd.f32 v10, v2;
	v10 =	vmul.f32 v10, v10;
	v3 =	vadd.f32 v8, v3;
	v8 =	vld [tilespmem:s14+$0x8900]  }
0xdd: {  	v4 =	vadd.f32 v9, v4;
	v1 =	vadd.f32 v6, v1;
	v6 =	vmul.f32 v7, v7;
	v9 =	vld [tilespmem:s15+$0x8890]  }
0xde: {  	v2 =	vadd.f32 v11, v2;
	v11 =	vmul.f32 v11, v11;
	v3 =	vadd.f32 v7, v3;
	v7 =	vld [tilespmem:s24+$0x8980]  }
0xdf: {  	v4 =	vadd.f32 v10, v4;
	v1 =	vadd.f32 v6, v1;
	v6 =	vmul.f32 v5, v5;
	v10 =	vld [tilespmem:s14+$0x8910]  }
0xe0: {  	v2 =	vadd.f32 v12, v2;
	v12 =	vmul.f32 v12, v12;
	v3 =	vadd.f32 v5, v3;
	v5 =	vld [tilespmem:s10+$0x8A00]  }
0xe1: {  	v4 =	vadd.f32 v11, v4;
	v1 =	vadd.f32 v6, v1;
	v6 =	vmul.f32 v8, v8;
	v11 =	vld [tilespmem:s24+$0x8990]  }
0xe2: {  	v2 =	vadd.f32 v9, v2;
	v9 =	vmul.f32 v9, v9;
	v3 =	vadd.f32 v8, v3;
	v8 =	vld [tilespmem:s3+$0x8A80]  }
0xe3: {  	v4 =	vadd.f32 v12, v4;
	v1 =	vadd.f32 v6, v1;
	v6 =	vmul.f32 v7, v7;
	v12 =	vld [tilespmem:s10+$0x8A10]  }
0xe4: {  	v2 =	vadd.f32 v10, v2;
	v10 =	vmul.f32 v10, v10;
	v3 =	vadd.f32 v7, v3;
	v7 =	vld [tilespmem:s9+$0x8B00]  }
0xe5: {  	v4 =	vadd.f32 v9, v4;
	v1 =	vadd.f32 v6, v1;
	v6 =	vmul.f32 v5, v5;
	v9 =	vld [tilespmem:s3+$0x8A90]  }
0xe6: {  	v2 =	vadd.f32 v11, v2;
	v11 =	vmul.f32 v11, v11;
	v3 =	vadd.f32 v5, v3;
	v5 =	vld [tilespmem:s8+$0x8B80]  }
0xe7: {  	v4 =	vadd.f32 v10, v4;
	v1 =	vadd.f32 v6, v1;
	v6 =	vmul.f32 v8, v8;
	v10 =	vld [tilespmem:s9+$0x8B10]  }
0xe8: {  	v2 =	vadd.f32 v12, v2;
	v12 =	vmul.f32 v12, v12;
	v3 =	vadd.f32 v8, v3;
	v8 =	vld [tilespmem:s6+$0x8C00]  }
0xe9: {  	v4 =	vadd.f32 v11, v4;
	v1 =	vadd.f32 v6, v1;
	v6 =	vmul.f32 v7, v7;
	v11 =	vld [tilespmem:s8+$0x8B90]  }
0xea: {  	v2 =	vadd.f32 v9, v2;
	v9 =	vmul.f32 v9, v9;
	v3 =	vadd.f32 v7, v3;
	v7 =	vld [tilespmem:s7+$0x8C80]  }
0xeb: {  	v4 =	vadd.f32 v12, v4;
	v1 =	vadd.f32 v6, v1;
	v6 =	vmul.f32 v5, v5;
	v12 =	vld [tilespmem:s6+$0x8C10]  }
0xec: {  	v2 =	vadd.f32 v10, v2;
	v10 =	vmul.f32 v10, v10;
	v3 =	vadd.f32 v5, v3  }
0xed: {  	v4 =	vadd.f32 v9, v4;
	v1 =	vadd.f32 v6, v1;
	v5 =	vmul.f32 v8, v8;
	v6 =	vld [tilespmem:s7+$0x8C90]  }
0xee: {  	v2 =	vadd.f32 v11, v2;
	v3 =	vadd.f32 v8, v3  }
0xef: {  	v4 =	vadd.f32 v10, v4;
	v8 =	vmul.f32 v11, v11;
	v1 =	vadd.f32 v5, v1  }
0xf0: {  	v5 =	vmul.f32 v7, v7;
	v2 =	vadd.f32 v12, v2;
	v3 =	vadd.f32 v7, v3  }
.Ltmp0:
0xf1: {  	v4 =	vadd.f32 v8, v4;
	v7 =	vmul.f32 v12, v12;
	(pc) =	sbr.rel @p0 .LBB2_3-.Ltmp0, $4  }
0xf2: {  	v1 =	vadd.f32 v5, v1;
	v8 =	vadd.f32 v6, v2;
	v2 =	vmul.f32 v3, v3  }
0xf3: {  	v4 =	vadd.f32 v7, v4;
	v5 =	vmul.f32 v6, v6  }
0xf4: {  	v2 =	vsub.f32 v2, v1;
	v3 =	vmul.f32 v8, v8  }
0xf5: {  	s30 =	sadd.s32 $0x20, s30;
	s3 =	sand.u32 $0x180, s12;
	s12 =	sadd.s32 $0x20, s12;
	v1 =	vadd.f32 v5, v4  }
0xf6: {  	v2 =	vadd.f32 v3, v2  }
0xf7: {  	v3 =	vld [tilespmem:s0+$0xFFFFFFF0]  }
0xf8: {  	v4 =	vld [tilespmem:s0+$0x0];
	v1 =	vsub.f32 v2, v1;
	_ =	sdelay $0x1  }
0xf9: {  	v1 =	vmul.f32 $5.000000000e-01, v1;
	_ =	sdelay $0x1  }
0xfa: {  	v1 =	vadd.f32 v1, v3  }
0xfb: {  	v2 =	vnsel vm1, $0x0, v4  }
0xfc: {  	v1 =	vadd.f32 v1, v2;
	_ =	sdelay $0x1  }
0xfd: {  	v1 =	vadd.f32 v1, v0;
	_ =	sdelay $0x1  }
0xfe: {  	(xrf2) =	vadd.scan.msk.f32 $0xffff, v1;
	_ =	sdelay $0x7  }
0xff: {  	v1 =	vmov s25;
	_ =	sdelay $0x1  }
0x100: {  	v2, _, _ =	vpop (xrf2)  }
0x101: {  	v2 =	vbroadcast v2, $0xF  }
0x102: {  	s28 =	sadd.s32 s3, s28  }
0x103: {  	s0 =	sadd.s32 s1, s28;
	[tilespmem:v1+s23+$0x0] =	vst.idx.msk $0x1, v2  }
0x104: {  	v1 =	vld [tilespmem:s0+$0x0];
	_ =	sdelay $0x4  }
0x105: {  	v1 =	vshll.u32 v1, $0x5  }
0x106: {  	s3 =	sshra.s32 s31, $0x2;
	v1 =	vand.u32 $0x60, v1  }
0x107: {  	v1 =	vadd.s32 s3, v1  }
0x108: {  	(v2sf) =	vpush v1, $0x2  }
0x109: {  	(v2sf) =	vpush v1, $0x0;
	_ =	sdelay $0x1  }
0x10a: {  	(v2sf) =	vpush v1, $0x1  }
0x10b: {  	(v2sf) =	vpush v1, $0x3  }
0x10c: {  	(v2sf) =	vpush v1, $0x4  }
0x10d: {  	(v2sf) =	vpush v1, $0x5  }
0x10e: {  	(v2sf) =	vpush v1, $0x6  }
0x10f: {  	(v2sf) =	vpush v1, $0x7  }
0x110: {  	v2 =	vld [tilespmem:s0+$0x10];
	(v2sf) =	vpush v1, $0x8  }
0x111: {  	(v2sf) =	vpush v1, $0x9  }
0x112: {  	(v2sf) =	vpush v1, $0xA  }
0x113: {  	(v2sf) =	vpush v1, $0xB  }
0x114: {  	(v2sf) =	vpush v1, $0xC  }
0x115: {  	v2 =	vshll.u32 v2, $0x5;
	(v2sf) =	vpush v1, $0xD  }
0x116: {  	v2 =	vand.u32 $0x60, v2;
	(v2sf) =	vpush v1, $0xE;
	s6 =	spop (v2sf)  }
0x117: {  	v2 =	vadd.s32 s3, v2;
	(v2sf) =	vpush v1, $0xF;
	s7 =	spop (v2sf);
	v5 =	vld [tilespmem:s6+$0x8100]  }
0x118: {  	(v2sf) =	vpush v2, $0x1;
	v1 =	vld [tilespmem:s7+$0x8000]  }
0x119: {  	s8 =	spop (v2sf);
	(v2sf) =	vpush v2, $0x2;
	v38 =	vld [tilespmem:s7+$0x8010]  }
0x11a: {  	v3 =	vld [tilespmem:s8+$0x8080];
	(v2sf) =	vpush v2, $0x3  }
0x11b: {  	v6 =	vld [tilespmem:s8+$0x8090];
	(v2sf) =	vpush v2, $0x4  }
0x11c: {  	(v2sf) =	vpush v2, $0x5  }
0x11d: {  	v10 =	vld [tilespmem:s6+$0x8110];
	s9 =	spop (v2sf);
	(v2sf) =	vpush v2, $0x6;
	v7 =	vadd.f32 $0.0e+00, v1  }
0x11e: {  	v8 =	vld [tilespmem:s9+$0x8180];
	(v2sf) =	vpush v2, $0x7;
	v1 =	vmul.f32 v1, v1;
	v11 =	vadd.f32 $0.0e+00, v38  }
0x11f: {  	s10 =	spop (v2sf);
	v12 =	vld [tilespmem:s9+$0x8190];
	v9 =	vmul.f32 v3, v3;
	(v2sf) =	vpush v2, $0x8;
	v3 =	vadd.f32 v3, v7  }
0x120: {  	v39 =	vld [tilespmem:s10+$0x8200];
	v40 =	vmul.f32 v5, v5;
	(v2sf) =	vpush v2, $0x9;
	v11 =	vadd.f32 v6, v11  }
0x121: {  	s11 =	spop (v2sf);
	v13 =	vld [tilespmem:s10+$0x8210];
	v4 =	vmul.f32 v38, v38;
	v1 =	vadd.f32 v9, v1;
	v3 =	vadd.f32 v5, v3  }
0x122: {  	v41 =	vld [tilespmem:s11+$0x8280];
	v6 =	vmul.f32 v6, v6;
	(v2sf) =	vpush v2, $0x0;
	v2 =	vadd.f32 v10, v11  }
0x123: {  	s12 =	spop (v2sf);
	v45 =	vld [tilespmem:s11+$0x8290];
	v42 =	vmul.f32 v8, v8;
	v1 =	vadd.f32 v40, v1;
	v3 =	vadd.f32 v8, v3  }
0x124: {  	v43 =	vld [tilespmem:s12+$0x8300];
	v10 =	vmul.f32 v10, v10;
	v4 =	vadd.f32 v6, v4;
	v2 =	vadd.f32 v12, v2  }
0x125: {  	s14 =	spop (v2sf);
	v49 =	vld [tilespmem:s12+$0x8310];
	v44 =	vmul.f32 v39, v39;
	v1 =	vadd.f32 v42, v1;
	v3 =	vadd.f32 v39, v3  }
0x126: {  	s15 =	spop (v2sf);
	v47 =	vld [tilespmem:s14+$0x8380];
	v46 =	vmul.f32 v12, v12;
	v4 =	vadd.f32 v10, v4;
	v2 =	vadd.f32 v13, v2  }
0x127: {  	v53 =	vld [tilespmem:s14+$0x8390];
	s6 =	spop (v2sf);
	v48 =	vmul.f32 v41, v41;
	v1 =	vadd.f32 v44, v1;
	v3 =	vadd.f32 v41, v3  }
0x128: {  	v51 =	vld [tilespmem:s15+$0x8400];
	s16 =	spop (v2sf);
	v50 =	vmul.f32 v13, v13;
	v4 =	vadd.f32 v46, v4;
	v2 =	vadd.f32 v45, v2  }
0x129: {  	v56 =	vld [tilespmem:s15+$0x8410];
	s7 =	spop (v2sf);
	v52 =	vmul.f32 v43, v43;
	v1 =	vadd.f32 v48, v1;
	v3 =	vadd.f32 v43, v3  }
0x12a: {  	v54 =	vld [tilespmem:s6+$0x8480];
	v9 =	vmul.f32 v45, v45;
	s17 =	spop (v2sf);
	v4 =	vadd.f32 v50, v4;
	v2 =	vadd.f32 v49, v2  }
0x12b: {  	v59 =	vld [tilespmem:s6+$0x8490];
	s12 =	spop (v2sf);
	v55 =	vmul.f32 v47, v47;
	v1 =	vadd.f32 v52, v1;
	v3 =	vadd.f32 v47, v3  }
0x12c: {  	v57 =	vld [tilespmem:s16+$0x8500];
	v10 =	vmul.f32 v49, v49;
	s14 =	spop (v2sf);
	v4 =	vadd.f32 v9, v4;
	v2 =	vadd.f32 v53, v2  }
0x12d: {  	v62 =	vld [tilespmem:s16+$0x8510];
	v58 =	vmul.f32 v51, v51;
	s15 =	spop (v2sf);
	v1 =	vadd.f32 v55, v1;
	v3 =	vadd.f32 v51, v3  }
0x12e: {  	v60 =	vld [tilespmem:s7+$0x8580];
	v11 =	vmul.f32 v53, v53;
	s11 =	spop (v2sf);
	v4 =	vadd.f32 v10, v4;
	v2 =	vadd.f32 v56, v2  }
0x12f: {  	v17 =	vld [tilespmem:s7+$0x8590];
	v61 =	vmul.f32 v54, v54;
	s10 =	spop (v2sf);
	v1 =	vadd.f32 v58, v1;
	v3 =	vadd.f32 v54, v3  }
0x130: {  	v63 =	vld [tilespmem:s17+$0x8600];
	v12 =	vmul.f32 v56, v56;
	s9 =	spop (v2sf);
	v4 =	vadd.f32 v11, v4;
	v2 =	vadd.f32 v59, v2  }
0x131: {  	v20 =	vld [tilespmem:s17+$0x8610];
	v16 =	vmul.f32 v57, v57;
	s8 =	spop (v2sf);
	v1 =	vadd.f32 v61, v1;
	v3 =	vadd.f32 v57, v3  }
0x132: {  	v18 =	vld [tilespmem:s12+$0x8680];
	v9 =	vmul.f32 v59, v59;
	s18 =	spop (v2sf);
	v4 =	vadd.f32 v12, v4;
	v2 =	vadd.f32 v62, v2  }
0x133: {  	v23 =	vld [tilespmem:s12+$0x8690];
	v19 =	vmul.f32 v60, v60;
	s19 =	spop (v2sf);
	v1 =	vadd.f32 v16, v1;
	v3 =	vadd.f32 v60, v3  }
0x134: {  	v21 =	vld [tilespmem:s14+$0x8700];
	v10 =	vmul.f32 v62, v62;
	s20 =	spop (v2sf);
	v4 =	vadd.f32 v9, v4;
	v2 =	vadd.f32 v17, v2  }
0x135: {  	v26 =	vld [tilespmem:s14+$0x8710];
	v22 =	vmul.f32 v63, v63;
	s24 =	spop (v2sf);
	v1 =	vadd.f32 v19, v1;
	v3 =	vadd.f32 v63, v3  }
0x136: {  	v24 =	vld [tilespmem:s15+$0x8780];
	v11 =	vmul.f32 v17, v17;
	s25 =	spop (v2sf);
	v4 =	vadd.f32 v10, v4;
	v2 =	vadd.f32 v20, v2  }
0x137: {  	v29 =	vld [tilespmem:s15+$0x8790];
	v25 =	vmul.f32 v18, v18;
	s28 =	spop (v2sf);
	v1 =	vadd.f32 v22, v1;
	v3 =	vadd.f32 v18, v3  }
0x138: {  	v12 =	vmul.f32 v20, v20;
	v27 =	vld [tilespmem:s28+$0x8800];
	v4 =	vadd.f32 v11, v4;
	v2 =	vadd.f32 v23, v2  }
0x139: {  	v28 =	vmul.f32 v21, v21;
	v32 =	vld [tilespmem:s28+$0x8810];
	v1 =	vadd.f32 v25, v1;
	v3 =	vadd.f32 v21, v3  }
0x13a: {  	v30 =	vld [tilespmem:s11+$0x8880];
	v9 =	vmul.f32 v23, v23;
	v4 =	vadd.f32 v12, v4;
	v2 =	vadd.f32 v26, v2  }
0x13b: {  	v35 =	vld [tilespmem:s11+$0x8890];
	v31 =	vmul.f32 v24, v24;
	v1 =	vadd.f32 v28, v1;
	v3 =	vadd.f32 v24, v3  }
0x13c: {  	v33 =	vld [tilespmem:s10+$0x8900];
	v10 =	vmul.f32 v26, v26;
	v4 =	vadd.f32 v9, v4;
	v2 =	vadd.f32 v29, v2  }
0x13d: {  	v38 =	vld [tilespmem:s10+$0x8910];
	v34 =	vmul.f32 v27, v27;
	v1 =	vadd.f32 v31, v1;
	v3 =	vadd.f32 v27, v3  }
0x13e: {  	v36 =	vld [tilespmem:s9+$0x8980];
	v11 =	vmul.f32 v29, v29;
	v4 =	vadd.f32 v10, v4;
	v2 =	vadd.f32 v32, v2  }
0x13f: {  	v41 =	vld [tilespmem:s9+$0x8990];
	v37 =	vmul.f32 v30, v30;
	v1 =	vadd.f32 v34, v1;
	v3 =	vadd.f32 v30, v3  }
0x140: {  	v39 =	vld [tilespmem:s8+$0x8A00];
	v12 =	vmul.f32 v32, v32;
	v4 =	vadd.f32 v11, v4;
	v2 =	vadd.f32 v35, v2  }
0x141: {  	v44 =	vld [tilespmem:s8+$0x8A10];
	v40 =	vmul.f32 v33, v33;
	v1 =	vadd.f32 v37, v1;
	v3 =	vadd.f32 v33, v3  }
0x142: {  	v42 =	vld [tilespmem:s18+$0x8A80];
	v9 =	vmul.f32 v35, v35;
	v4 =	vadd.f32 v12, v4;
	v2 =	vadd.f32 v38, v2  }
0x143: {  	v47 =	vld [tilespmem:s18+$0x8A90];
	v43 =	vmul.f32 v36, v36;
	v1 =	vadd.f32 v40, v1;
	v3 =	vadd.f32 v36, v3  }
0x144: {  	v45 =	vld [tilespmem:s19+$0x8B00];
	v10 =	vmul.f32 v38, v38;
	v4 =	vadd.f32 v9, v4;
	v2 =	vadd.f32 v41, v2  }
0x145: {  	v50 =	vld [tilespmem:s19+$0x8B10];
	v46 =	vmul.f32 v39, v39;
	v1 =	vadd.f32 v43, v1;
	v3 =	vadd.f32 v39, v3  }
0x146: {  	v48 =	vld [tilespmem:s20+$0x8B80];
	v11 =	vmul.f32 v41, v41;
	v4 =	vadd.f32 v10, v4;
	v2 =	vadd.f32 v44, v2  }
0x147: {  	v53 =	vld [tilespmem:s20+$0x8B90];
	v49 =	vmul.f32 v42, v42;
	v1 =	vadd.f32 v46, v1;
	v3 =	vadd.f32 v42, v3  }
0x148: {  	v51 =	vld [tilespmem:s24+$0x8C00];
	v12 =	vmul.f32 v44, v44;
	v4 =	vadd.f32 v11, v4;
	v2 =	vadd.f32 v47, v2  }
0x149: {  	v56 =	vld [tilespmem:s24+$0x8C10];
	v52 =	vmul.f32 v45, v45;
	v1 =	vadd.f32 v49, v1;
	v3 =	vadd.f32 v45, v3  }
0x14a: {  	v54 =	vld [tilespmem:s25+$0x8C80];
	v9 =	vmul.f32 v47, v47;
	v4 =	vadd.f32 v12, v4;
	v2 =	vadd.f32 v50, v2  }
0x14b: {  	v55 =	vmul.f32 v48, v48;
	v1 =	vadd.f32 v52, v1;
	v3 =	vadd.f32 v48, v3  }
0x14c: {  	v58 =	vld [tilespmem:s25+$0x8C90];
	v10 =	vmul.f32 v50, v50;
	v4 =	vadd.f32 v9, v4;
	v2 =	vadd.f32 v53, v2  }
0x14d: {  	v57 =	vmul.f32 v51, v51;
	v1 =	vadd.f32 v55, v1;
	v3 =	vadd.f32 v51, v3  }
0x14e: {  	v59 =	vmul.f32 v53, v53;
	v4 =	vadd.f32 v10, v4;
	v2 =	vadd.f32 v56, v2  }
0x14f: {  	v60 =	vmul.f32 v54, v54;
	v1 =	vadd.f32 v57, v1;
	v3 =	vadd.f32 v54, v3  }
0x150: {  	v61 =	vmul.f32 v56, v56;
	v4 =	vadd.f32 v59, v4  }
0x151: {  	v2 =	vadd.f32 v58, v2;
	v1 =	vadd.f32 v60, v1;
	v3 =	vmul.f32 v3, v3  }
0x152: {  	v62 =	vmul.f32 v58, v58  }
0x153: {  	v4 =	vadd.f32 v61, v4;
	v2 =	vmul.f32 v2, v2;
	v1 =	vsub.f32 v3, v1;
	_ =	sdelay $0x1  }
0x154: {  	v3 =	vadd.f32 v62, v4;
	v1 =	vadd.f32 v2, v1  }
0x155: {  	v2 =	vld [tilespmem:s30+$0xFFFFFFF0]  }
0x156: {  	v63 =	vld [tilespmem:s30+$0x0];
	v1 =	vsub.f32 v1, v3;
	_ =	sdelay $0x1  }
0x157: {  	v1 =	vmul.f32 $5.000000000e-01, v1;
	_ =	sdelay $0x1  }
0x158: {  	v1 =	vadd.f32 v1, v2  }
0x159: {  	v2 =	vnsel vm1, $0x0, v63  }
0x15a: {  	v1 =	vadd.f32 v1, v2;
	_ =	sdelay $0x1  }
0x15b: {  	v1 =	vadd.f32 v1, v0;
	_ =	sdelay $0x1  }
0x15c: {  	(xrf2) =	vadd.scan.msk.f32 $0xffff, v1;
	_ =	sdelay $0x6  }
0x15d: {  	s31 =	sadd.s32 $0x1, s29;
	s26 =	sadd.s32 $0x1, s26  }
0x15e: {  	p0 =	sne.s32 s26, $0x20;
	v1 =	vmov s31  }
.Ltmp1:
0x15f: {  	_ = 	snop;
	(pc) =	sbr.rel @p0 .LBB2_2-.Ltmp1, $3  }
0x160: {  	v2, _, _ =	vpop (xrf2)  }
0x161: {  	v2 =	vbroadcast v2, $0xF;
	_ =	sdelay $0x1  }
0x162: {  	s2 =	sadd.s32 $0x10, s2;
	[tilespmem:v1+s23+$0x0] =	vst.idx.msk $0x1, v2  }
0x163: {  	s7 =	simm.s32 $0x0;
	s0 =	rddreg [dreg:$0x6];
	s1 =	simm.s32 $0x2  }
0x164: {  	[hbm4b:s0+s7] =	stream.linear.scatter [tilespmem:s23], [sflag:$0x2], $0x200, $0x38;
	[tilespmem:$0x18480] =	vst v63  }
0x165: {  	_ =	swait.ge [sflag:s1], $0x200  }
0x166: {  	s2 =	rddreg [dreg:$0x8]  }
0x167: {  	s31 =	rddreg [dreg:$0x7];
	s2 =	sadd.s32 $0x1, s2  }
0x168: {  	p0 =	sne.s32 s2, s31  }
.Ltmp2:
0x169: {  	_ = 	snop;
	(pc) =	sbr.rel @p0 .LBB2_1-.Ltmp2, $3  }
0x16a: {  	_ =	sdelay $0x1  }
0x16b: {  	[sflag:s1] =	ssyncset.done $0x0  }
0x16c: {  	[sflag:s1] =	ssyncadd.s32 $0xFFFFFE00  }
0x16d: {  	_ =	sfence.sel $0x180000  }
0x16e: {  	[bflag:$0x0] =	sbarrier.arrive $0xFFFF  }
0x16f: {  	_ =	strace $0x90000047  }
0x170: {  	s0 =	stileid.u32;
	[bflag:$0x2] =	sbarrier.arrive $0xFFFF  }
0x171: {  	p0 =	sne.s32 s0, $0x0;
	s0 =	rddreg [dreg:$0x3]  }
0x172: {  	s0 =	sadd.s32 @!p0 $0x100000, s0  }
0x173: {  	[sflag:s0] =	ssyncadd.tile.s32 @!p0 $0x1;
	_ =	shalt  }
.Lfunc_end2:
_tile_overlayer_lowered:
.L_overlay_start_2:
0x174: {  	(tag) =	ssettag $0x2  }
0x175: {  	s0 =	rddreg [dreg:$0x0];
	s2 =	stileid.u32  }
0x176: {  	s1 =	rddreg [dreg:$0x1];
	p0 =	sne.s32 s2, $0x0  }
0x177: {  	s3 =	rddreg [dreg:$0x2];
	[bflag:$0x3] =	sbarrier.arrive $0xFFFF;
	s2 =	simm.s32 @!p0 $0x1C02  }
0x178: {  	[timem:s3], [sflag:s2] =	dma.local @!p0 [hbm:s0], s1  }
0x179: {  	s0 =	simm.s32 @!p0 $0x2  }
0x17a: {  	_ =	swait.ge @!p0 [sflag:s0], s1  }
0x17b: {  	s1 =	ssub.s32 @!p0 $0x0, s1;
	[sflag:s0] =	ssyncset.done @!p0 $0x0  }
0x17c: {  	[sflag:s0] =	ssyncadd.s32 @!p0 s1  }
0x17d: {  	[bflag:$0x3] =	sbarrier.arrive $0xFFFF  }
0x17e: {  	_ =	shalt  }

</sc_bundles>
